<compile_context>
chip_gen: v7x
topology: tpu7x:2x2x1
jax: 0.10.2.dev20260603
libtpu: 0.0.44.dev20260713+nightly
codegen_flags: <defaults>
</compile_context>

<pallas_src>
import functools

import jax
import jax.numpy as jnp
from jax import lax
from jax.experimental import pallas as pl
from jax.experimental.pallas import tpu as pltpu
from jax.experimental.pallas import tpu_sc as plsc

_BK = 128
_NW = 32
_GW = 16


def _gates_routing_kernel(t_ref, x_ref, Wg1_ref, bg1_ref, Wg2_ref, bg2_ref,
                          gates_ref, g0_ref, g1_ref, pos0_ref, pos1_ref,
                          bexp_ref, bval_ref, bseg_ref, sgex_ref, nsg_ref,
                          mask_scr, rank_scr, cnt_scr):
    i = pl.program_id(0)
    nb_steps = pl.num_programs(0) - 1
    nb = gates_ref.shape[0]
    e_dim = gates_ref.shape[1]
    g_blocks = bexp_ref.shape[1]
    bk_f = jnp.float32(_BK)

    @pl.when(i == 0)
    def _():
        cnt_scr[...] = jnp.zeros_like(cnt_scr)

    @pl.when(i < nb_steps)
    def _():
        xb = x_ref[...].astype(jnp.bfloat16)
        gh = jnp.dot(xb, Wg1_ref[...].astype(jnp.bfloat16),
                     preferred_element_type=jnp.float32)
        gh = jnp.maximum(gh + bg1_ref[...], 0.0)
        logits = jnp.dot(gh.astype(jnp.bfloat16),
                         Wg2_ref[...].astype(jnp.bfloat16),
                         preferred_element_type=jnp.float32)
        logits = (logits + bg2_ref[...]) / t_ref[0]

        iota = lax.broadcasted_iota(jnp.int32, logits.shape, 1)
        m1 = jnp.max(logits, axis=-1, keepdims=True)
        eq1 = logits == m1
        idx1 = jnp.min(jnp.where(eq1, iota, e_dim), axis=-1, keepdims=True)
        first = iota == idx1
        l2 = jnp.where(first, -jnp.inf, logits)
        m2 = jnp.max(l2, axis=-1, keepdims=True)
        eq2 = l2 == m2
        idx2 = jnp.min(jnp.where(eq2, iota, e_dim), axis=-1, keepdims=True)
        second = iota == idx2
        b = jnp.exp(m2 - m1)
        denom = 1.0 + b
        g1 = 1.0 / denom
        g2 = b / denom
        gates_ref[...] = jnp.where(first, g1, 0.0) + jnp.where(second, g2, 0.0)
        g0_ref[...] = jnp.broadcast_to(g1, g0_ref.shape)
        g1_ref[...] = jnp.broadcast_to(g2, g1_ref.shape)

        ind = first.astype(jnp.float32) + second.astype(jnp.float32)
        r_iota = lax.broadcasted_iota(jnp.int32, (nb, nb), 0)
        c_iota = lax.broadcasted_iota(jnp.int32, (nb, nb), 1)
        tril = (r_iota > c_iota).astype(jnp.float32)
        local_excl = jnp.dot(tril, ind, preferred_element_type=jnp.float32)
        row = pl.ds(i * nb, nb)
        mask_scr[row, :] = first.astype(jnp.float32) * 1.0 + \
            second.astype(jnp.float32) * 2.0
        rank_scr[row, :] = cnt_scr[...] + local_excl
        cnt_scr[...] += jnp.sum(ind, axis=0, keepdims=True)

    @pl.when(i == nb_steps)
    def _():
        c = cnt_scr[...]
        padded = jnp.floor((c + (bk_f - 1.0)) * (1.0 / bk_f)) * bk_f
        jj = lax.broadcasted_iota(jnp.int32, (e_dim, e_dim), 0)
        ee = lax.broadcasted_iota(jnp.int32, (e_dim, e_dim), 1)
        mstrict = (jj < ee).astype(jnp.float32)
        off = jnp.dot(padded, mstrict,
                      preferred_element_type=jnp.float32)
        slot = off + rank_scr[...]
        mask = mask_scr[...]
        p0 = jnp.sum(jnp.where(mask == 1.0, slot, 0.0), axis=1,
                     keepdims=True)
        p1 = jnp.sum(jnp.where(mask == 2.0, slot, 0.0), axis=1,
                     keepdims=True)
        pos0_ref[...] = p0.astype(jnp.int32)
        pos1_ref[...] = p1.astype(jnp.int32)

        seg_end = off + padded
        gi = lax.broadcasted_iota(jnp.int32, (1, g_blocks), 1).astype(
            jnp.float32) * bk_f
        lane = lax.broadcasted_iota(jnp.int32, (1, e_dim), 1)
        bexp_f = jnp.zeros((1, g_blocks), jnp.float32)
        for e in range(e_dim):
            end_e = jnp.sum(jnp.where(lane == e, seg_end, 0.0))
            bexp_f = bexp_f + (gi >= end_e).astype(jnp.float32)
        total = jnp.sum(padded)
        bexp_f = jnp.minimum(bexp_f, e_dim - 1)
        bexp_ref[...] = bexp_f.astype(jnp.int32)
        bval_ref[...] = (gi < total).astype(jnp.int32)

        shifted = jnp.concatenate([bexp_f[:, :1], bexp_f[:, :-1]], axis=1)
        chg = (bexp_f != shifted).astype(jnp.float32)
        jjg = lax.broadcasted_iota(jnp.int32, (g_blocks, g_blocks), 0)
        eeg = lax.broadcasted_iota(jnp.int32, (g_blocks, g_blocks), 1)
        mincl = (jjg <= eeg).astype(jnp.float32)
        bseg_ref[...] = jnp.dot(chg, mincl,
                                preferred_element_type=jnp.float32
                                ).astype(jnp.int32)
        nz = (padded > 0.0).astype(jnp.float32)
        rank_e = jnp.dot(nz, mstrict, preferred_element_type=jnp.float32)
        lane_f = lane.astype(jnp.float32)
        sgex_f = jnp.zeros((1, e_dim), jnp.float32)
        for e in range(e_dim):
            r_e = jnp.sum(jnp.where(lane == e, rank_e, 0.0))
            nz_e = jnp.sum(jnp.where(lane == e, nz, 0.0))
            sgex_f = sgex_f + jnp.where(lane_f == r_e, nz_e * e, 0.0)
        sgex_ref[...] = sgex_f.astype(jnp.int32)
        nsg_ref[...] = jnp.reshape(jnp.sum(nz), (1, 1)).astype(jnp.int32)


def _experts_kernel(bexp_ref, bval_ref, bseg_ref, sgex_ref, nsg_ref,
                    xs_ref, W1_ref, b1_ref, W2_ref, b2_ref, ys_ref,
                    w1buf, w2buf, sem1, sem2):
    i = pl.program_id(0)
    seg = bseg_ref[0, i]
    par = lax.rem(seg, 2)
    prev_seg = bseg_ref[0, jnp.maximum(i - 1, 0)]
    seg_start = jnp.logical_or(i == 0, seg != prev_seg)
    nsg = nsg_ref[0, 0]

    @pl.when(i == 0)
    def _():
        e0 = sgex_ref[0, 0]
        pltpu.make_async_copy(W1_ref.at[pl.ds(e0, 1)],
                              w1buf.at[pl.ds(0, 1)], sem1.at[0]).start()
        pltpu.make_async_copy(W2_ref.at[pl.ds(e0, 1)],
                              w2buf.at[pl.ds(0, 1)], sem2.at[0]).start()

    for p in (0, 1):
        @pl.when(jnp.logical_and(seg_start, par == p))
        def _(p=p):
            e_cur = sgex_ref[0, seg]
            pltpu.make_async_copy(W1_ref.at[pl.ds(e_cur, 1)],
                                  w1buf.at[pl.ds(p, 1)], sem1.at[p]).wait()
            pltpu.make_async_copy(W2_ref.at[pl.ds(e_cur, 1)],
                                  w2buf.at[pl.ds(p, 1)], sem2.at[p]).wait()

            @pl.when(seg + 1 < nsg)
            def _():
                e_nx = sgex_ref[0, seg + 1]
                pltpu.make_async_copy(
                    W1_ref.at[pl.ds(e_nx, 1)], w1buf.at[pl.ds(1 - p, 1)],
                    sem1.at[1 - p]).start()
                pltpu.make_async_copy(
                    W2_ref.at[pl.ds(e_nx, 1)], w2buf.at[pl.ds(1 - p, 1)],
                    sem2.at[1 - p]).start()

        @pl.when(jnp.logical_and(bval_ref[0, i] == 1, par == p))
        def _(p=p):
            h1 = jnp.dot(xs_ref[...], w1buf[p],
                         preferred_element_type=jnp.float32)
            h1 = jnp.maximum(h1 + b1_ref[0], 0.0)
            y = jnp.dot(h1, w2buf[p],
                        preferred_element_type=jnp.float32) + b2_ref[0]
            ys_ref[...] = y


def _make_dispatch(n, d, s_slots):
    ch = n // _NW
    mesh = plsc.VectorSubcoreMesh(core_axis_name="c", subcore_axis_name="s",
                                 num_cores=2, num_subcores=16)

    @functools.partial(
        pl.kernel,
        out_type=jax.ShapeDtypeStruct((s_slots, d), jnp.float32),
        mesh=mesh,
        scratch_types=[
            pltpu.VMEM((ch,), jnp.int32),
            pltpu.VMEM((ch,), jnp.int32),
            pltpu.VMEM((ch, d), jnp.float32),
            pltpu.SemaphoreType.DMA,
        ],
    )
    def dispatch(x_hbm, i0_hbm, i1_hbm, xs_hbm, i0_v, i1_v, rows_v, sem):
        wid = lax.axis_index("s") * 2 + lax.axis_index("c")
        base = wid * ch
        sl = pl.ds(base, ch)
        c1 = pltpu.async_copy(x_hbm.at[sl], rows_v, sem)
        c2 = pltpu.async_copy(i0_hbm.at[sl], i0_v, sem)
        c3 = pltpu.async_copy(i1_hbm.at[sl], i1_v, sem)
        c1.wait(); c2.wait(); c3.wait()
        s1 = pltpu.async_copy(rows_v, xs_hbm.at[i0_v], sem)
        s2 = pltpu.async_copy(rows_v, xs_hbm.at[i1_v], sem)
        s1.wait(); s2.wait()

    return dispatch


def _make_combine(n, h_dim):
    ch = n // _NW
    win = 32
    n_win = ch // win
    mesh = plsc.VectorSubcoreMesh(core_axis_name="c", subcore_axis_name="s",
                                 num_cores=2, num_subcores=16)

    @functools.partial(
        pl.kernel,
        out_type=jax.ShapeDtypeStruct((n, h_dim), jnp.float32),
        mesh=mesh,
        scratch_types=[
            pltpu.VMEM((ch,), jnp.int32),
            pltpu.VMEM((ch,), jnp.int32),
            pltpu.VMEM((ch, 16), jnp.float32),
            pltpu.VMEM((ch, 16), jnp.float32),
            pltpu.VMEM((win, h_dim), jnp.float32),
            pltpu.VMEM((win, h_dim), jnp.float32),
            pltpu.VMEM((win, h_dim), jnp.float32),
            pltpu.SemaphoreType.DMA,
        ],
    )
    def combine(ys_hbm, i0_hbm, i1_hbm, g0_hbm, g1_hbm, out_hbm,
                i0_v, i1_v, ga_v, gb_v, a_v, b_v, o_v, sem):
        wid = lax.axis_index("s") * 2 + lax.axis_index("c")
        base = wid * ch
        c1 = pltpu.async_copy(i0_hbm.at[pl.ds(base, ch)], i0_v, sem)
        c2 = pltpu.async_copy(i1_hbm.at[pl.ds(base, ch)], i1_v, sem)
        c3 = pltpu.async_copy(g0_hbm.at[pl.ds(base, ch)], ga_v, sem)
        c4 = pltpu.async_copy(g1_hbm.at[pl.ds(base, ch)], gb_v, sem)
        c1.wait(); c2.wait(); c3.wait(); c4.wait()

        @pl.loop(0, n_win)
        def _(w):
            wbase = base + w * win
            ca = pltpu.async_copy(
                ys_hbm.at[i0_v.at[pl.ds(w * win, win)]], a_v, sem)
            cb = pltpu.async_copy(
                ys_hbm.at[i1_v.at[pl.ds(w * win, win)]], b_v, sem)
            ca.wait(); cb.wait()

            @pl.loop(0, win)
            def _(r):
                ga = ga_v[w * win + r]
                gb = gb_v[w * win + r]

                @pl.loop(0, h_dim // 16, unroll=8)
                def _(cc):
                    sl = pl.ds(cc * 16, 16)
                    o_v[r, sl] = a_v[r, sl] * ga + b_v[r, sl] * gb

            pltpu.sync_copy(o_v, out_hbm.at[pl.ds(wbase, win)])

    return combine


def kernel(x, W1, b1, W2, b2, Wg1, bg1, Wg2, bg2, temperature):
    n, d = x.shape
    e_num, _, h_dim = W1.shape
    k_top = 2
    g_blocks = (n * k_top) // _BK + e_num
    s_slots = g_blocks * _BK
    nb_steps = 4
    nb = n // nb_steps

    t = jnp.reshape(temperature.astype(jnp.float32), (1,))
    bg1_2d = jnp.reshape(bg1, (1, h_dim))
    bg2_2d = jnp.reshape(bg2, (1, e_num))
    b1_3d = jnp.reshape(b1, (e_num, 1, h_dim))
    b2_3d = jnp.reshape(b2, (e_num, 1, h_dim))

    (gates, g0, g1, pos0, pos1, bexp, bval, bseg, sgex,
     nsg) = pl.pallas_call(
        _gates_routing_kernel,
        grid=(nb_steps + 1,),
        in_specs=[
            pl.BlockSpec(memory_space=pltpu.SMEM),
            pl.BlockSpec((nb, d), lambda i: (jnp.minimum(i, nb_steps - 1), 0)),
            pl.BlockSpec((d, h_dim), lambda i: (0, 0)),
            pl.BlockSpec((1, h_dim), lambda i: (0, 0)),
            pl.BlockSpec((h_dim, e_num), lambda i: (0, 0)),
            pl.BlockSpec((1, e_num), lambda i: (0, 0)),
        ],
        out_specs=[
            pl.BlockSpec((nb, e_num),
                         lambda i: (jnp.minimum(i, nb_steps - 1), 0)),
            pl.BlockSpec((nb, 16),
                         lambda i: (jnp.minimum(i, nb_steps - 1), 0)),
            pl.BlockSpec((nb, 16),
                         lambda i: (jnp.minimum(i, nb_steps - 1), 0)),
            pl.BlockSpec((n, 1), lambda i: (0, 0)),
            pl.BlockSpec((n, 1), lambda i: (0, 0)),
            pl.BlockSpec((1, g_blocks), lambda i: (0, 0)),
            pl.BlockSpec((1, g_blocks), lambda i: (0, 0)),
            pl.BlockSpec((1, g_blocks), lambda i: (0, 0)),
            pl.BlockSpec((1, e_num), lambda i: (0, 0)),
            pl.BlockSpec((1, 1), lambda i: (0, 0)),
        ],
        out_shape=[
            jax.ShapeDtypeStruct((n, e_num), jnp.float32),
            jax.ShapeDtypeStruct((n, 16), jnp.float32),
            jax.ShapeDtypeStruct((n, 16), jnp.float32),
            jax.ShapeDtypeStruct((n, 1), jnp.int32),
            jax.ShapeDtypeStruct((n, 1), jnp.int32),
            jax.ShapeDtypeStruct((1, g_blocks), jnp.int32),
            jax.ShapeDtypeStruct((1, g_blocks), jnp.int32),
            jax.ShapeDtypeStruct((1, g_blocks), jnp.int32),
            jax.ShapeDtypeStruct((1, e_num), jnp.int32),
            jax.ShapeDtypeStruct((1, 1), jnp.int32),
        ],
        scratch_shapes=[
            pltpu.VMEM((n, e_num), jnp.float32),
            pltpu.VMEM((n, e_num), jnp.float32),
            pltpu.VMEM((1, e_num), jnp.float32),
        ],
        compiler_params=pltpu.CompilerParams(
            dimension_semantics=("arbitrary",),
        ),
    )(t, x, Wg1, bg1_2d, Wg2, bg2_2d)

    idx0 = jnp.reshape(pos0, (n,))
    idx1 = jnp.reshape(pos1, (n,))

    xs = _make_dispatch(n, d, s_slots)(x, idx0, idx1)

    grid_spec = pltpu.PrefetchScalarGridSpec(
        num_scalar_prefetch=5,
        grid=(g_blocks,),
        in_specs=[
            pl.BlockSpec((_BK, d), lambda i, *_: (i, 0)),
            pl.BlockSpec(memory_space=pl.ANY),
            pl.BlockSpec((1, 1, h_dim), lambda i, be, *_: (be[0, i], 0, 0)),
            pl.BlockSpec(memory_space=pl.ANY),
            pl.BlockSpec((1, 1, h_dim), lambda i, be, *_: (be[0, i], 0, 0)),
        ],
        out_specs=pl.BlockSpec((_BK, h_dim), lambda i, *_: (i, 0)),
        scratch_shapes=[
            pltpu.VMEM((2, d, h_dim), jnp.float32),
            pltpu.VMEM((2, h_dim, h_dim), jnp.float32),
            pltpu.SemaphoreType.DMA((2,)),
            pltpu.SemaphoreType.DMA((2,)),
        ],
    )
    ys = pl.pallas_call(
        _experts_kernel,
        grid_spec=grid_spec,
        out_shape=jax.ShapeDtypeStruct((s_slots, h_dim), jnp.float32),
        compiler_params=pltpu.CompilerParams(
            dimension_semantics=("arbitrary",),
        ),
    )(bexp, bval, bseg, sgex, nsg, xs, W1, b1_3d, W2, b2_3d)

    out = _make_combine(n, h_dim)(ys, idx0, idx1, g0, g1)

    return out, gates

# --- scband reference (transcript-rebuilt; emitter-appended) ---
"""Pipeline reference for scband-mixture-of-experts-55482387529763 (READ-ONLY COPY).

The authoritative reference and input builder live on the scoring server;
editing this copy changes nothing except your own understanding.
"""

import jax, jax.numpy as jnp
import numpy as np

N = 2048
D = 1024
H = 1024
E = 8
K = 2

def setup_inputs(seed: int = 0) -> dict:
    key = jax.random.key(seed)
    ks = jax.random.split(key, 8)
    s_d = 1.0 / np.sqrt(D)
    s_h = 1.0 / np.sqrt(H)
    x = jax.random.normal(ks[0], (N, D), dtype=jnp.float32)
    W1 = jax.random.normal(ks[1], (E, D, H), dtype=jnp.float32) * s_d
    b1 = jnp.zeros((E, H), dtype=jnp.float32)
    W2 = jax.random.normal(ks[2], (E, H, H), dtype=jnp.float32) * s_h
    b2 = jnp.zeros((E, H), dtype=jnp.float32)
    Wg1 = jax.random.normal(ks[3], (D, H), dtype=jnp.float32) * s_d
    bg1 = jnp.zeros((H,), dtype=jnp.float32)
    Wg2 = jax.random.normal(ks[4], (H, E), dtype=jnp.float32) * s_h
    bg2 = jnp.zeros((E,), dtype=jnp.float32)
    temperature = jnp.array(1.0, dtype=jnp.float32)
    return {"x": x, "W1": W1, "b1": b1, "W2": W2, "b2": b2,
            "Wg1": Wg1, "bg1": bg1, "Wg2": Wg2, "bg2": bg2,
            "temperature": temperature}

def reference(x, W1, b1, W2, b2, Wg1, bg1, Wg2, bg2, temperature):
    # Gate network: Linear -> ReLU -> (Dropout=identity in eval) -> Linear
    gate_hidden = jax.nn.relu(x @ Wg1 + bg1)
    gate_logits = (gate_hidden @ Wg2 + bg2) / temperature
    # top_k < num_experts branch: sparse gates via top-k softmax + scatter
    top_k_logits, top_k_indices = jax.lax.top_k(gate_logits, K)
    top_k_gates = jax.nn.softmax(top_k_logits, axis=-1)
    gates = jnp.zeros_like(gate_logits).at[
        jnp.arange(gate_logits.shape[0])[:, None], top_k_indices
    ].set(top_k_gates)
    # Dense expert computation: every expert processes every token
    h = jax.nn.relu(jnp.einsum('nd,edh->enh', x, W1) + b1[:, None, :])
    expert_outputs = jnp.einsum('enh,ehk->enk', h, W2) + b2[:, None, :]
    # Weighted combination over experts
    output = jnp.einsum('enk,ne->nk', expert_outputs, gates)
    return output, gates

if __name__ == "__main__":
    import jax
    _d = setup_inputs()
    print(jax.jit(kernel)(*tuple(_d.values())))

</pallas_src>

<mosaic_0001>
#map = affine_map<(d0, d1) -> (0, 0)>
#map1 = affine_map<(d0, d1) -> (0)>
module attributes {stable_mosaic.version = 14 : i64} {
  func.func @dispatch(%arg0: i32, %arg1: i32, %arg2: memref<2048x1024xf32, #tpu.memory_space<hbm>>, %arg3: memref<2048xi32, #tpu.memory_space<hbm>>, %arg4: memref<2048xi32, #tpu.memory_space<hbm>>, %arg5: memref<5120x1024xf32, #tpu.memory_space<hbm>>, %arg6: memref<64xi32, #tpu.memory_space<vmem>>, %arg7: memref<64xi32, #tpu.memory_space<vmem>>, %arg8: memref<64x1024xf32, #tpu.memory_space<vmem>>, %arg9: memref<!tpu.dma_semaphore, #tpu.memory_space<semaphore_mem>>) attributes {dimension_semantics = [#tpu.dimension_semantics<core_parallel>, #tpu.dimension_semantics<subcore_parallel>], iteration_bounds = array<i64: 2, 16>, scalar_prefetch = 0 : i64, scratch_operands = 4 : i64, tpu.core_type = #tpu.core_type<sc_vector_subcore>, window_params = [{transform_indices = #map}, {transform_indices = #map1}, {transform_indices = #map1}, {transform_indices = #map}]} {
    %mul3A = arith.constant 2 : i32
    %mul3A_0 = arith.muli %arg1, %mul3A : i32
    %add3A = arith.addi %mul3A_0, %arg0 : i32
    %mul3A_1 = arith.constant 64 : i32
    %mul3A_2 = arith.muli %add3A, %mul3A_1 : i32
    %dma_start3A = arith.constant 0 : i32
    %dma_start3A_3 = tpu.memref_slice %arg2[%mul3A_2, %dma_start3A] : memref<2048x1024xf32, #tpu.memory_space<hbm>> -> memref<64x1024xf32, #tpu.memory_space<hbm>>
    %dma_start3A_4 = arith.constant 0 : i32
    %dma_start3A_5 = tpu.memref_slice %arg2[%mul3A_2, %dma_start3A_4] : memref<2048x1024xf32, #tpu.memory_space<hbm>> -> memref<64x1024xf32, #tpu.memory_space<hbm>>
    tpu.enqueue_dma source(%dma_start3A_5 : memref<64x1024xf32, #tpu.memory_space<hbm>>) target(%arg8 : memref<64x1024xf32, #tpu.memory_space<vmem>>) target_semaphore(%arg9 : memref<!tpu.dma_semaphore, #tpu.memory_space<semaphore_mem>>)
    %dma_start3A_6 = tpu.memref_slice %arg3[%mul3A_2] : memref<2048xi32, #tpu.memory_space<hbm>> -> memref<64xi32, #tpu.memory_space<hbm>>
    %dma_start3A_7 = tpu.memref_slice %arg3[%mul3A_2] : memref<2048xi32, #tpu.memory_space<hbm>> -> memref<64xi32, #tpu.memory_space<hbm>>
    tpu.enqueue_dma source(%dma_start3A_7 : memref<64xi32, #tpu.memory_space<hbm>>) target(%arg6 : memref<64xi32, #tpu.memory_space<vmem>>) target_semaphore(%arg9 : memref<!tpu.dma_semaphore, #tpu.memory_space<semaphore_mem>>)
    %dma_start3A_8 = tpu.memref_slice %arg4[%mul3A_2] : memref<2048xi32, #tpu.memory_space<hbm>> -> memref<64xi32, #tpu.memory_space<hbm>>
    %dma_start3A_9 = tpu.memref_slice %arg4[%mul3A_2] : memref<2048xi32, #tpu.memory_space<hbm>> -> memref<64xi32, #tpu.memory_space<hbm>>
    tpu.enqueue_dma source(%dma_start3A_9 : memref<64xi32, #tpu.memory_space<hbm>>) target(%arg7 : memref<64xi32, #tpu.memory_space<vmem>>) target_semaphore(%arg9 : memref<!tpu.dma_semaphore, #tpu.memory_space<semaphore_mem>>)
    %dma_wait3A = arith.constant 0 : i32
    %dma_wait3A_10 = tpu.memref_slice %arg2[%mul3A_2, %dma_wait3A] : memref<2048x1024xf32, #tpu.memory_space<hbm>> -> memref<64x1024xf32, #tpu.memory_space<hbm>>
    %dma_wait3A_11 = arith.constant 0 : i32
    %dma_wait3A_12 = tpu.memref_slice %arg2[%mul3A_2, %dma_wait3A_11] : memref<2048x1024xf32, #tpu.memory_space<hbm>> -> memref<64x1024xf32, #tpu.memory_space<hbm>>
    tpu.wait_dma2 semaphore(%arg9 : memref<!tpu.dma_semaphore, #tpu.memory_space<semaphore_mem>>) src(%dma_wait3A_12 : memref<64x1024xf32, #tpu.memory_space<hbm>>) dst(%arg8 : memref<64x1024xf32, #tpu.memory_space<vmem>>)
    %dma_wait3A_13 = tpu.memref_slice %arg3[%mul3A_2] : memref<2048xi32, #tpu.memory_space<hbm>> -> memref<64xi32, #tpu.memory_space<hbm>>
    %dma_wait3A_14 = tpu.memref_slice %arg3[%mul3A_2] : memref<2048xi32, #tpu.memory_space<hbm>> -> memref<64xi32, #tpu.memory_space<hbm>>
    tpu.wait_dma2 semaphore(%arg9 : memref<!tpu.dma_semaphore, #tpu.memory_space<semaphore_mem>>) src(%dma_wait3A_14 : memref<64xi32, #tpu.memory_space<hbm>>) dst(%arg6 : memref<64xi32, #tpu.memory_space<vmem>>)
    %dma_wait3A_15 = tpu.memref_slice %arg4[%mul3A_2] : memref<2048xi32, #tpu.memory_space<hbm>> -> memref<64xi32, #tpu.memory_space<hbm>>
    %dma_wait3A_16 = tpu.memref_slice %arg4[%mul3A_2] : memref<2048xi32, #tpu.memory_space<hbm>> -> memref<64xi32, #tpu.memory_space<hbm>>
    tpu.wait_dma2 semaphore(%arg9 : memref<!tpu.dma_semaphore, #tpu.memory_space<semaphore_mem>>) src(%dma_wait3A_16 : memref<64xi32, #tpu.memory_space<hbm>>) dst(%arg7 : memref<64xi32, #tpu.memory_space<vmem>>)
    %dma_start3A_17 = arith.constant 0 : i32
    %dma_start3A_18 = arith.constant 0 : i32
    %dma_start3A_19 = tpu.memref_slice %arg5[%dma_start3A_17, %dma_start3A_18] : memref<5120x1024xf32, #tpu.memory_space<hbm>> -> memref<5120x1024xf32, #tpu.memory_space<hbm>>
    tpu.enqueue_indirect_dma source(%arg8 : memref<64x1024xf32, #tpu.memory_space<vmem>>) target(%dma_start3A_19 : memref<5120x1024xf32, #tpu.memory_space<hbm>>) offsets(%arg6 : memref<64xi32, #tpu.memory_space<vmem>>) semaphore(%arg9 : memref<!tpu.dma_semaphore, #tpu.memory_space<semaphore_mem>>)
    %dma_start3A_20 = arith.constant 0 : i32
    %dma_start3A_21 = arith.constant 0 : i32
    %dma_start3A_22 = tpu.memref_slice %arg5[%dma_start3A_20, %dma_start3A_21] : memref<5120x1024xf32, #tpu.memory_space<hbm>> -> memref<5120x1024xf32, #tpu.memory_space<hbm>>
    tpu.enqueue_indirect_dma source(%arg8 : memref<64x1024xf32, #tpu.memory_space<vmem>>) target(%dma_start3A_22 : memref<5120x1024xf32, #tpu.memory_space<hbm>>) offsets(%arg7 : memref<64xi32, #tpu.memory_space<vmem>>) semaphore(%arg9 : memref<!tpu.dma_semaphore, #tpu.memory_space<semaphore_mem>>)
    %dma_wait3A_23 = arith.constant 0 : i32
    %dma_wait3A_24 = arith.constant 0 : i32
    %dma_wait3A_25 = tpu.memref_slice %arg5[%dma_wait3A_23, %dma_wait3A_24] : memref<5120x1024xf32, #tpu.memory_space<hbm>> -> memref<5120x1024xf32, #tpu.memory_space<hbm>>
    tpu.wait_indirect_dma semaphore(%arg9 : memref<!tpu.dma_semaphore, #tpu.memory_space<semaphore_mem>>) src(%arg8 : memref<64x1024xf32, #tpu.memory_space<vmem>>) dst(%dma_wait3A_25 : memref<5120x1024xf32, #tpu.memory_space<hbm>>)
    %dma_wait3A_26 = arith.constant 0 : i32
    %dma_wait3A_27 = arith.constant 0 : i32
    %dma_wait3A_28 = tpu.memref_slice %arg5[%dma_wait3A_26, %dma_wait3A_27] : memref<5120x1024xf32, #tpu.memory_space<hbm>> -> memref<5120x1024xf32, #tpu.memory_space<hbm>>
    tpu.wait_indirect_dma semaphore(%arg9 : memref<!tpu.dma_semaphore, #tpu.memory_space<semaphore_mem>>) src(%arg8 : memref<64x1024xf32, #tpu.memory_space<vmem>>) dst(%dma_wait3A_28 : memref<5120x1024xf32, #tpu.memory_space<hbm>>)
    return
  }
}

#map = affine_map<(d0, d1) -> (0, 0)>
#map1 = affine_map<(d0, d1) -> (0)>
module attributes {stable_mosaic.version = 14 : i64} {
  func.func @combine(%arg0: i32, %arg1: i32, %arg2: memref<5120x1024xf32, #tpu.memory_space<hbm>>, %arg3: memref<2048xi32, #tpu.memory_space<hbm>>, %arg4: memref<2048xi32, #tpu.memory_space<hbm>>, %arg5: memref<2048x16xf32, #tpu.memory_space<hbm>>, %arg6: memref<2048x16xf32, #tpu.memory_space<hbm>>, %arg7: memref<2048x1024xf32, #tpu.memory_space<hbm>>, %arg8: memref<64xi32, #tpu.memory_space<vmem>>, %arg9: memref<64xi32, #tpu.memory_space<vmem>>, %arg10: memref<64x16xf32, #tpu.memory_space<vmem>>, %arg11: memref<64x16xf32, #tpu.memory_space<vmem>>, %arg12: memref<32x1024xf32, #tpu.memory_space<vmem>>, %arg13: memref<32x1024xf32, #tpu.memory_space<vmem>>, %arg14: memref<32x1024xf32, #tpu.memory_space<vmem>>, %arg15: memref<!tpu.dma_semaphore, #tpu.memory_space<semaphore_mem>>) attributes {dimension_semantics = [#tpu.dimension_semantics<core_parallel>, #tpu.dimension_semantics<subcore_parallel>], iteration_bounds = array<i64: 2, 16>, scalar_prefetch = 0 : i64, scratch_operands = 8 : i64, tpu.core_type = #tpu.core_type<sc_vector_subcore>, window_params = [{transform_indices = #map}, {transform_indices = #map1}, {transform_indices = #map1}, {transform_indices = #map}, {transform_indices = #map}, {transform_indices = #map}]} {
    %mul3A = arith.constant 2 : i32
    %mul3A_0 = arith.muli %arg1, %mul3A : i32
    %add3A = arith.addi %mul3A_0, %arg0 : i32
    %mul3A_1 = arith.constant 64 : i32
    %mul3A_2 = arith.muli %add3A, %mul3A_1 : i32
    %dma_start3A = tpu.memref_slice %arg3[%mul3A_2] : memref<2048xi32, #tpu.memory_space<hbm>> -> memref<64xi32, #tpu.memory_space<hbm>>
    %dma_start3A_3 = tpu.memref_slice %arg3[%mul3A_2] : memref<2048xi32, #tpu.memory_space<hbm>> -> memref<64xi32, #tpu.memory_space<hbm>>
    tpu.enqueue_dma source(%dma_start3A_3 : memref<64xi32, #tpu.memory_space<hbm>>) target(%arg8 : memref<64xi32, #tpu.memory_space<vmem>>) target_semaphore(%arg15 : memref<!tpu.dma_semaphore, #tpu.memory_space<semaphore_mem>>)
    %dma_start3A_4 = tpu.memref_slice %arg4[%mul3A_2] : memref<2048xi32, #tpu.memory_space<hbm>> -> memref<64xi32, #tpu.memory_space<hbm>>
    %dma_start3A_5 = tpu.memref_slice %arg4[%mul3A_2] : memref<2048xi32, #tpu.memory_space<hbm>> -> memref<64xi32, #tpu.memory_space<hbm>>
    tpu.enqueue_dma source(%dma_start3A_5 : memref<64xi32, #tpu.memory_space<hbm>>) target(%arg9 : memref<64xi32, #tpu.memory_space<vmem>>) target_semaphore(%arg15 : memref<!tpu.dma_semaphore, #tpu.memory_space<semaphore_mem>>)
    %dma_start3A_6 = arith.constant 0 : i32
    %dma_start3A_7 = tpu.memref_slice %arg5[%mul3A_2, %dma_start3A_6] : memref<2048x16xf32, #tpu.memory_space<hbm>> -> memref<64x16xf32, #tpu.memory_space<hbm>>
    %dma_start3A_8 = arith.constant 0 : i32
    %dma_start3A_9 = tpu.memref_slice %arg5[%mul3A_2, %dma_start3A_8] : memref<2048x16xf32, #tpu.memory_space<hbm>> -> memref<64x16xf32, #tpu.memory_space<hbm>>
    tpu.enqueue_dma source(%dma_start3A_9 : memref<64x16xf32, #tpu.memory_space<hbm>>) target(%arg10 : memref<64x16xf32, #tpu.memory_space<vmem>>) target_semaphore(%arg15 : memref<!tpu.dma_semaphore, #tpu.memory_space<semaphore_mem>>)
    %dma_start3A_10 = arith.constant 0 : i32
    %dma_start3A_11 = tpu.memref_slice %arg6[%mul3A_2, %dma_start3A_10] : memref<2048x16xf32, #tpu.memory_space<hbm>> -> memref<64x16xf32, #tpu.memory_space<hbm>>
    %dma_start3A_12 = arith.constant 0 : i32
    %dma_start3A_13 = tpu.memref_slice %arg6[%mul3A_2, %dma_start3A_12] : memref<2048x16xf32, #tpu.memory_space<hbm>> -> memref<64x16xf32, #tpu.memory_space<hbm>>
    tpu.enqueue_dma source(%dma_start3A_13 : memref<64x16xf32, #tpu.memory_space<hbm>>) target(%arg11 : memref<64x16xf32, #tpu.memory_space<vmem>>) target_semaphore(%arg15 : memref<!tpu.dma_semaphore, #tpu.memory_space<semaphore_mem>>)
    %dma_wait3A = tpu.memref_slice %arg3[%mul3A_2] : memref<2048xi32, #tpu.memory_space<hbm>> -> memref<64xi32, #tpu.memory_space<hbm>>
    %dma_wait3A_14 = tpu.memref_slice %arg3[%mul3A_2] : memref<2048xi32, #tpu.memory_space<hbm>> -> memref<64xi32, #tpu.memory_space<hbm>>
    tpu.wait_dma2 semaphore(%arg15 : memref<!tpu.dma_semaphore, #tpu.memory_space<semaphore_mem>>) src(%dma_wait3A_14 : memref<64xi32, #tpu.memory_space<hbm>>) dst(%arg8 : memref<64xi32, #tpu.memory_space<vmem>>)
    %dma_wait3A_15 = tpu.memref_slice %arg4[%mul3A_2] : memref<2048xi32, #tpu.memory_space<hbm>> -> memref<64xi32, #tpu.memory_space<hbm>>
    %dma_wait3A_16 = tpu.memref_slice %arg4[%mul3A_2] : memref<2048xi32, #tpu.memory_space<hbm>> -> memref<64xi32, #tpu.memory_space<hbm>>
    tpu.wait_dma2 semaphore(%arg15 : memref<!tpu.dma_semaphore, #tpu.memory_space<semaphore_mem>>) src(%dma_wait3A_16 : memref<64xi32, #tpu.memory_space<hbm>>) dst(%arg9 : memref<64xi32, #tpu.memory_space<vmem>>)
    %dma_wait3A_17 = arith.constant 0 : i32
    %dma_wait3A_18 = tpu.memref_slice %arg5[%mul3A_2, %dma_wait3A_17] : memref<2048x16xf32, #tpu.memory_space<hbm>> -> memref<64x16xf32, #tpu.memory_space<hbm>>
    %dma_wait3A_19 = arith.constant 0 : i32
    %dma_wait3A_20 = tpu.memref_slice %arg5[%mul3A_2, %dma_wait3A_19] : memref<2048x16xf32, #tpu.memory_space<hbm>> -> memref<64x16xf32, #tpu.memory_space<hbm>>
    tpu.wait_dma2 semaphore(%arg15 : memref<!tpu.dma_semaphore, #tpu.memory_space<semaphore_mem>>) src(%dma_wait3A_20 : memref<64x16xf32, #tpu.memory_space<hbm>>) dst(%arg10 : memref<64x16xf32, #tpu.memory_space<vmem>>)
    %dma_wait3A_21 = arith.constant 0 : i32
    %dma_wait3A_22 = tpu.memref_slice %arg6[%mul3A_2, %dma_wait3A_21] : memref<2048x16xf32, #tpu.memory_space<hbm>> -> memref<64x16xf32, #tpu.memory_space<hbm>>
    %dma_wait3A_23 = arith.constant 0 : i32
    %dma_wait3A_24 = tpu.memref_slice %arg6[%mul3A_2, %dma_wait3A_23] : memref<2048x16xf32, #tpu.memory_space<hbm>> -> memref<64x16xf32, #tpu.memory_space<hbm>>
    tpu.wait_dma2 semaphore(%arg15 : memref<!tpu.dma_semaphore, #tpu.memory_space<semaphore_mem>>) src(%dma_wait3A_24 : memref<64x16xf32, #tpu.memory_space<hbm>>) dst(%arg11 : memref<64x16xf32, #tpu.memory_space<vmem>>)
    %scan3A = arith.constant 0 : i32
    %scan3A_25 = arith.constant 2 : i32
    %scan3A_26 = arith.addi %scan3A, %scan3A_25 : i32
    %scan3A_27 = arith.constant 1 : i32
    scf.for %scan3A_29 = %scan3A to %scan3A_26 step %scan3A_27  : i32 {
      %mul3A_30 = arith.constant 1 : i32
      %mul3A_31 = arith.muli %scan3A_29, %mul3A_30 : i32
      %add3A_32 = arith.constant 0 : i32
      %add3A_33 = arith.addi %add3A_32, %mul3A_31 : i32
      %mul3A_34 = arith.constant 32 : i32
      %mul3A_35 = arith.muli %add3A_33, %mul3A_34 : i32
      %add3A_36 = arith.addi %mul3A_2, %mul3A_35 : i32
      %mul3A_37 = arith.constant 32 : i32
      %mul3A_38 = arith.muli %add3A_33, %mul3A_37 : i32
      %dma_start3A_39 = tpu.memref_slice %arg8[%mul3A_38] : memref<64xi32, #tpu.memory_space<vmem>> -> memref<32xi32, #tpu.memory_space<vmem>>
      %dma_start3A_40 = arith.constant 0 : i32
      %dma_start3A_41 = arith.constant 0 : i32
      %dma_start3A_42 = tpu.memref_slice %arg2[%dma_start3A_40, %dma_start3A_41] : memref<5120x1024xf32, #tpu.memory_space<hbm>> -> memref<5120x1024xf32, #tpu.memory_space<hbm>>
      tpu.enqueue_indirect_dma source(%dma_start3A_42 : memref<5120x1024xf32, #tpu.memory_space<hbm>>) target(%arg12 : memref<32x1024xf32, #tpu.memory_space<vmem>>) offsets(%dma_start3A_39 : memref<32xi32, #tpu.memory_space<vmem>>) semaphore(%arg15 : memref<!tpu.dma_semaphore, #tpu.memory_space<semaphore_mem>>)
      %mul3A_43 = arith.constant 32 : i32
      %mul3A_44 = arith.muli %add3A_33, %mul3A_43 : i32
      %dma_start3A_45 = tpu.memref_slice %arg9[%mul3A_44] : memref<64xi32, #tpu.memory_space<vmem>> -> memref<32xi32, #tpu.memory_space<vmem>>
      %dma_start3A_46 = arith.constant 0 : i32
      %dma_start3A_47 = arith.constant 0 : i32
      %dma_start3A_48 = tpu.memref_slice %arg2[%dma_start3A_46, %dma_start3A_47] : memref<5120x1024xf32, #tpu.memory_space<hbm>> -> memref<5120x1024xf32, #tpu.memory_space<hbm>>
      tpu.enqueue_indirect_dma source(%dma_start3A_48 : memref<5120x1024xf32, #tpu.memory_space<hbm>>) target(%arg13 : memref<32x1024xf32, #tpu.memory_space<vmem>>) offsets(%dma_start3A_45 : memref<32xi32, #tpu.memory_space<vmem>>) semaphore(%arg15 : memref<!tpu.dma_semaphore, #tpu.memory_space<semaphore_mem>>)
      %dma_wait3A_49 = tpu.memref_slice %arg8[%mul3A_38] : memref<64xi32, #tpu.memory_space<vmem>> -> memref<32xi32, #tpu.memory_space<vmem>>
      %dma_wait3A_50 = arith.constant 0 : i32
      %dma_wait3A_51 = arith.constant 0 : i32
      %dma_wait3A_52 = tpu.memref_slice %arg2[%dma_wait3A_50, %dma_wait3A_51] : memref<5120x1024xf32, #tpu.memory_space<hbm>> -> memref<5120x1024xf32, #tpu.memory_space<hbm>>
      tpu.wait_indirect_dma semaphore(%arg15 : memref<!tpu.dma_semaphore, #tpu.memory_space<semaphore_mem>>) src(%dma_wait3A_52 : memref<5120x1024xf32, #tpu.memory_space<hbm>>) dst(%arg12 : memref<32x1024xf32, #tpu.memory_space<vmem>>)
      %dma_wait3A_53 = tpu.memref_slice %arg9[%mul3A_44] : memref<64xi32, #tpu.memory_space<vmem>> -> memref<32xi32, #tpu.memory_space<vmem>>
      %dma_wait3A_54 = arith.constant 0 : i32
      %dma_wait3A_55 = arith.constant 0 : i32
      %dma_wait3A_56 = tpu.memref_slice %arg2[%dma_wait3A_54, %dma_wait3A_55] : memref<5120x1024xf32, #tpu.memory_space<hbm>> -> memref<5120x1024xf32, #tpu.memory_space<hbm>>
      tpu.wait_indirect_dma semaphore(%arg15 : memref<!tpu.dma_semaphore, #tpu.memory_space<semaphore_mem>>) src(%dma_wait3A_56 : memref<5120x1024xf32, #tpu.memory_space<hbm>>) dst(%arg13 : memref<32x1024xf32, #tpu.memory_space<vmem>>)
      %scan3A_57 = arith.constant 0 : i32
      %scan3A_58 = arith.constant 32 : i32
      %scan3A_59 = arith.addi %scan3A_57, %scan3A_58 : i32
      %scan3A_60 = arith.constant 1 : i32
      scf.for %scan3A_62 = %scan3A_57 to %scan3A_59 step %scan3A_60  : i32 {
        %mul3A_63 = arith.constant 1 : i32
        %mul3A_64 = arith.muli %scan3A_62, %mul3A_63 : i32
        %add3A_65 = arith.constant 0 : i32
        %add3A_66 = arith.addi %add3A_65, %mul3A_64 : i32
        %mul3A_67 = arith.constant 32 : i32
        %mul3A_68 = arith.muli %add3A_33, %mul3A_67 : i32
        %add3A_69 = arith.addi %mul3A_68, %add3A_66 : i32
        %get3A = arith.index_cast %add3A_69 : i32 to index
        %get3A_70 = arith.constant 0 : index
        %get3A_71 = tpu.vector_load %arg10[%get3A, %get3A_70] {strides = array<i32>} : memref<64x16xf32, #tpu.memory_space<vmem>>, vector<1x16xf32>,
        %get3A_72 = vector.shape_cast %get3A_71 : vector<1x16xf32> to vector<16xf32>
        %mul3A_73 = arith.constant 32 : i32
        %mul3A_74 = arith.muli %add3A_33, %mul3A_73 : i32
        %add3A_75 = arith.addi %mul3A_74, %add3A_66 : i32
        %get3A_76 = arith.index_cast %add3A_75 : i32 to index
        %get3A_77 = arith.constant 0 : index
        %get3A_78 = tpu.vector_load %arg11[%get3A_76, %get3A_77] {strides = array<i32>} : memref<64x16xf32, #tpu.memory_space<vmem>>, vector<1x16xf32>,
        %get3A_79 = vector.shape_cast %get3A_78 : vector<1x16xf32> to vector<16xf32>
        %scan3A_80 = arith.constant 0 : i32
        %scan3A_81 = arith.constant 64 : i32
        %scan3A_82 = arith.addi %scan3A_80, %scan3A_81 : i32
        %scan3A_83 = arith.constant 8 : i32
        scf.for %scan3A_85 = %scan3A_80 to %scan3A_82 step %scan3A_83  : i32 {
          %mul3A_86 = arith.constant 1 : i32
          %mul3A_87 = arith.muli %scan3A_85, %mul3A_86 : i32
          %add3A_88 = arith.constant 0 : i32
          %add3A_89 = arith.addi %add3A_88, %mul3A_87 : i32
          %mul3A_90 = arith.constant 16 : i32
          %mul3A_91 = arith.muli %add3A_89, %mul3A_90 : i32
          %get3A_92 = arith.index_cast %add3A_66 : i32 to index
          %get3A_93 = arith.index_cast %mul3A_91 : i32 to index
          %get3A_94 = tpu.vector_load %arg12[%get3A_92, %get3A_93] {strides = array<i32>} : memref<32x1024xf32, #tpu.memory_space<vmem>>, vector<1x16xf32>,
          %get3A_95 = vector.shape_cast %get3A_94 : vector<1x16xf32> to vector<16xf32>
          %mul3A_96 = arith.mulf %get3A_95, %get3A_72 : vector<16xf32>
          %get3A_97 = arith.index_cast %add3A_66 : i32 to index
          %get3A_98 = arith.index_cast %mul3A_91 : i32 to index
          %get3A_99 = tpu.vector_load %arg13[%get3A_97, %get3A_98] {strides = array<i32>} : memref<32x1024xf32, #tpu.memory_space<vmem>>, vector<1x16xf32>,
          %get3A_100 = vector.shape_cast %get3A_99 : vector<1x16xf32> to vector<16xf32>
          %mul3A_101 = arith.mulf %get3A_100, %get3A_79 : vector<16xf32>
          %add3A_102 = arith.addf %mul3A_96, %mul3A_101 : vector<16xf32>
          %swap3A = arith.index_cast %add3A_66 : i32 to index
          %swap3A_103 = arith.index_cast %mul3A_91 : i32 to index
          %swap3A_104 = tpu.vector_load %arg14[%swap3A, %swap3A_103] {strides = array<i32>} : memref<32x1024xf32, #tpu.memory_space<vmem>>, vector<1x16xf32>,
          %swap3A_105 = vector.shape_cast %swap3A_104 : vector<1x16xf32> to vector<16xf32>
          %swap3A_106 = vector.shape_cast %add3A_102 : vector<16xf32> to vector<1x16xf32>
          tpu.vector_store %arg14[%swap3A, %swap3A_103], %swap3A_106 {strides = array<i32>} : memref<32x1024xf32, #tpu.memory_space<vmem>>, vector<1x16xf32>,
          %scan3A_107 = arith.constant 1 : i32
          %scan3A_108 = arith.addi %scan3A_85, %scan3A_107 : i32
          %mul3A_109 = arith.constant 1 : i32
          %mul3A_110 = arith.muli %scan3A_108, %mul3A_109 : i32
          %add3A_111 = arith.constant 0 : i32
          %add3A_112 = arith.addi %add3A_111, %mul3A_110 : i32
          %mul3A_113 = arith.constant 16 : i32
          %mul3A_114 = arith.muli %add3A_112, %mul3A_113 : i32
          %get3A_115 = arith.index_cast %add3A_66 : i32 to index
          %get3A_116 = arith.index_cast %mul3A_114 : i32 to index
          %get3A_117 = tpu.vector_load %arg12[%get3A_115, %get3A_116] {strides = array<i32>} : memref<32x1024xf32, #tpu.memory_space<vmem>>, vector<1x16xf32>,
          %get3A_118 = vector.shape_cast %get3A_117 : vector<1x16xf32> to vector<16xf32>
          %mul3A_119 = arith.mulf %get3A_118, %get3A_72 : vector<16xf32>
          %get3A_120 = arith.index_cast %add3A_66 : i32 to index
          %get3A_121 = arith.index_cast %mul3A_114 : i32 to index
          %get3A_122 = tpu.vector_load %arg13[%get3A_120, %get3A_121] {strides = array<i32>} : memref<32x1024xf32, #tpu.memory_space<vmem>>, vector<1x16xf32>,
          %get3A_123 = vector.shape_cast %get3A_122 : vector<1x16xf32> to vector<16xf32>
          %mul3A_124 = arith.mulf %get3A_123, %get3A_79 : vector<16xf32>
          %add3A_125 = arith.addf %mul3A_119, %mul3A_124 : vector<16xf32>
          %swap3A_126 = arith.index_cast %add3A_66 : i32 to index
          %swap3A_127 = arith.index_cast %mul3A_114 : i32 to index
          %swap3A_128 = tpu.vector_load %arg14[%swap3A_126, %swap3A_127] {strides = array<i32>} : memref<32x1024xf32, #tpu.memory_space<vmem>>, vector<1x16xf32>,
          %swap3A_129 = vector.shape_cast %swap3A_128 : vector<1x16xf32> to vector<16xf32>
          %swap3A_130 = vector.shape_cast %add3A_125 : vector<16xf32> to vector<1x16xf32>
          tpu.vector_store %arg14[%swap3A_126, %swap3A_127], %swap3A_130 {strides = array<i32>} : memref<32x1024xf32, #tpu.memory_space<vmem>>, vector<1x16xf32>,
          %scan3A_131 = arith.constant 2 : i32
          %scan3A_132 = arith.addi %scan3A_85, %scan3A_131 : i32
          %mul3A_133 = arith.constant 1 : i32
          %mul3A_134 = arith.muli %scan3A_132, %mul3A_133 : i32
          %add3A_135 = arith.constant 0 : i32
          %add3A_136 = arith.addi %add3A_135, %mul3A_134 : i32
          %mul3A_137 = arith.constant 16 : i32
          %mul3A_138 = arith.muli %add3A_136, %mul3A_137 : i32
          %get3A_139 = arith.index_cast %add3A_66 : i32 to index
          %get3A_140 = arith.index_cast %mul3A_138 : i32 to index
          %get3A_141 = tpu.vector_load %arg12[%get3A_139, %get3A_140] {strides = array<i32>} : memref<32x1024xf32, #tpu.memory_space<vmem>>, vector<1x16xf32>,
          %get3A_142 = vector.shape_cast %get3A_141 : vector<1x16xf32> to vector<16xf32>
          %mul3A_143 = arith.mulf %get3A_142, %get3A_72 : vector<16xf32>
          %get3A_144 = arith.index_cast %add3A_66 : i32 to index
          %get3A_145 = arith.index_cast %mul3A_138 : i32 to index
          %get3A_146 = tpu.vector_load %arg13[%get3A_144, %get3A_145] {strides = array<i32>} : memref<32x1024xf32, #tpu.memory_space<vmem>>, vector<1x16xf32>,
          %get3A_147 = vector.shape_cast %get3A_146 : vector<1x16xf32> to vector<16xf32>
          %mul3A_148 = arith.mulf %get3A_147, %get3A_79 : vector<16xf32>
          %add3A_149 = arith.addf %mul3A_143, %mul3A_148 : vector<16xf32>
          %swap3A_150 = arith.index_cast %add3A_66 : i32 to index
          %swap3A_151 = arith.index_cast %mul3A_138 : i32 to index
          %swap3A_152 = tpu.vector_load %arg14[%swap3A_150, %swap3A_151] {strides = array<i32>} : memref<32x1024xf32, #tpu.memory_space<vmem>>, vector<1x16xf32>,
          %swap3A_153 = vector.shape_cast %swap3A_152 : vector<1x16xf32> to vector<16xf32>
          %swap3A_154 = vector.shape_cast %add3A_149 : vector<16xf32> to vector<1x16xf32>
          tpu.vector_store %arg14[%swap3A_150, %swap3A_151], %swap3A_154 {strides = array<i32>} : memref<32x1024xf32, #tpu.memory_space<vmem>>, vector<1x16xf32>,
          %scan3A_155 = arith.constant 3 : i32
          %scan3A_156 = arith.addi %scan3A_85, %scan3A_155 : i32
          %mul3A_157 = arith.constant 1 : i32
          %mul3A_158 = arith.muli %scan3A_156, %mul3A_157 : i32
          %add3A_159 = arith.constant 0 : i32
          %add3A_160 = arith.addi %add3A_159, %mul3A_158 : i32
          %mul3A_161 = arith.constant 16 : i32
          %mul3A_162 = arith.muli %add3A_160, %mul3A_161 : i32
          %get3A_163 = arith.index_cast %add3A_66 : i32 to index
          %get3A_164 = arith.index_cast %mul3A_162 : i32 to index
          %get3A_165 = tpu.vector_load %arg12[%get3A_163, %get3A_164] {strides = array<i32>} : memref<32x1024xf32, #tpu.memory_space<vmem>>, vector<1x16xf32>,
          %get3A_166 = vector.shape_cast %get3A_165 : vector<1x16xf32> to vector<16xf32>
          %mul3A_167 = arith.mulf %get3A_166, %get3A_72 : vector<16xf32>
          %get3A_168 = arith.index_cast %add3A_66 : i32 to index
          %get3A_169 = arith.index_cast %mul3A_162 : i32 to index
          %get3A_170 = tpu.vector_load %arg13[%get3A_168, %get3A_169] {strides = array<i32>} : memref<32x1024xf32, #tpu.memory_space<vmem>>, vector<1x16xf32>,
          %get3A_171 = vector.shape_cast %get3A_170 : vector<1x16xf32> to vector<16xf32>
          %mul3A_172 = arith.mulf %get3A_171, %get3A_79 : vector<16xf32>
          %add3A_173 = arith.addf %mul3A_167, %mul3A_172 : vector<16xf32>
          %swap3A_174 = arith.index_cast %add3A_66 : i32 to index
          %swap3A_175 = arith.index_cast %mul3A_162 : i32 to index
          %swap3A_176 = tpu.vector_load %arg14[%swap3A_174, %swap3A_175] {strides = array<i32>} : memref<32x1024xf32, #tpu.memory_space<vmem>>, vector<1x16xf32>,
          %swap3A_177 = vector.shape_cast %swap3A_176 : vector<1x16xf32> to vector<16xf32>
          %swap3A_178 = vector.shape_cast %add3A_173 : vector<16xf32> to vector<1x16xf32>
          tpu.vector_store %arg14[%swap3A_174, %swap3A_175], %swap3A_178 {strides = array<i32>} : memref<32x1024xf32, #tpu.memory_space<vmem>>, vector<1x16xf32>,
          %scan3A_179 = arith.constant 4 : i32
          %scan3A_180 = arith.addi %scan3A_85, %scan3A_179 : i32
          %mul3A_181 = arith.constant 1 : i32
          %mul3A_182 = arith.muli %scan3A_180, %mul3A_181 : i32
          %add3A_183 = arith.constant 0 : i32
          %add3A_184 = arith.addi %add3A_183, %mul3A_182 : i32
          %mul3A_185 = arith.constant 16 : i32
          %mul3A_186 = arith.muli %add3A_184, %mul3A_185 : i32
          %get3A_187 = arith.index_cast %add3A_66 : i32 to index
          %get3A_188 = arith.index_cast %mul3A_186 : i32 to index
          %get3A_189 = tpu.vector_load %arg12[%get3A_187, %get3A_188] {strides = array<i32>} : memref<32x1024xf32, #tpu.memory_space<vmem>>, vector<1x16xf32>,
          %get3A_190 = vector.shape_cast %get3A_189 : vector<1x16xf32> to vector<16xf32>
          %mul3A_191 = arith.mulf %get3A_190, %get3A_72 : vector<16xf32>
          %get3A_192 = arith.index_cast %add3A_66 : i32 to index
          %get3A_193 = arith.index_cast %mul3A_186 : i32 to index
          %get3A_194 = tpu.vector_load %arg13[%get3A_192, %get3A_193] {strides = array<i32>} : memref<32x1024xf32, #tpu.memory_space<vmem>>, vector<1x16xf32>,
          %get3A_195 = vector.shape_cast %get3A_194 : vector<1x16xf32> to vector<16xf32>
          %mul3A_196 = arith.mulf %get3A_195, %get3A_79 : vector<16xf32>
          %add3A_197 = arith.addf %mul3A_191, %mul3A_196 : vector<16xf32>
          %swap3A_198 = arith.index_cast %add3A_66 : i32 to index
          %swap3A_199 = arith.index_cast %mul3A_186 : i32 to index
          %swap3A_200 = tpu.vector_load %arg14[%swap3A_198, %swap3A_199] {strides = array<i32>} : memref<32x1024xf32, #tpu.memory_space<vmem>>, vector<1x16xf32>,
          %swap3A_201 = vector.shape_cast %swap3A_200 : vector<1x16xf32> to vector<16xf32>
          %swap3A_202 = vector.shape_cast %add3A_197 : vector<16xf32> to vector<1x16xf32>
          tpu.vector_store %arg14[%swap3A_198, %swap3A_199], %swap3A_202 {strides = array<i32>} : memref<32x1024xf32, #tpu.memory_space<vmem>>, vector<1x16xf32>,
          %scan3A_203 = arith.constant 5 : i32
          %scan3A_204 = arith.addi %scan3A_85, %scan3A_203 : i32
          %mul3A_205 = arith.constant 1 : i32
          %mul3A_206 = arith.muli %scan3A_204, %mul3A_205 : i32
          %add3A_207 = arith.constant 0 : i32
          %add3A_208 = arith.addi %add3A_207, %mul3A_206 : i32
          %mul3A_209 = arith.constant 16 : i32
          %mul3A_210 = arith.muli %add3A_208, %mul3A_209 : i32
          %get3A_211 = arith.index_cast %add3A_66 : i32 to index
          %get3A_212 = arith.index_cast %mul3A_210 : i32 to index
          %get3A_213 = tpu.vector_load %arg12[%get3A_211, %get3A_212] {strides = array<i32>} : memref<32x1024xf32, #tpu.memory_space<vmem>>, vector<1x16xf32>,
          %get3A_214 = vector.shape_cast %get3A_213 : vector<1x16xf32> to vector<16xf32>
          %mul3A_215 = arith.mulf %get3A_214, %get3A_72 : vector<16xf32>
          %get3A_216 = arith.index_cast %add3A_66 : i32 to index
          %get3A_217 = arith.index_cast %mul3A_210 : i32 to index
          %get3A_218 = tpu.vector_load %arg13[%get3A_216, %get3A_217] {strides = array<i32>} : memref<32x1024xf32, #tpu.memory_space<vmem>>, vector<1x16xf32>,
          %get3A_219 = vector.shape_cast %get3A_218 : vector<1x16xf32> to vector<16xf32>
          %mul3A_220 = arith.mulf %get3A_219, %get3A_79 : vector<16xf32>
          %add3A_221 = arith.addf %mul3A_215, %mul3A_220 : vector<16xf32>
          %swap3A_222 = arith.index_cast %add3A_66 : i32 to index
          %swap3A_223 = arith.index_cast %mul3A_210 : i32 to index
          %swap3A_224 = tpu.vector_load %arg14[%swap3A_222, %swap3A_223] {strides = array<i32>} : memref<32x1024xf32, #tpu.memory_space<vmem>>, vector<1x16xf32>,
          %swap3A_225 = vector.shape_cast %swap3A_224 : vector<1x16xf32> to vector<16xf32>
          %swap3A_226 = vector.shape_cast %add3A_221 : vector<16xf32> to vector<1x16xf32>
          tpu.vector_store %arg14[%swap3A_222, %swap3A_223], %swap3A_226 {strides = array<i32>} : memref<32x1024xf32, #tpu.memory_space<vmem>>, vector<1x16xf32>,
          %scan3A_227 = arith.constant 6 : i32
          %scan3A_228 = arith.addi %scan3A_85, %scan3A_227 : i32
          %mul3A_229 = arith.constant 1 : i32
          %mul3A_230 = arith.muli %scan3A_228, %mul3A_229 : i32
          %add3A_231 = arith.constant 0 : i32
          %add3A_232 = arith.addi %add3A_231, %mul3A_230 : i32
          %mul3A_233 = arith.constant 16 : i32
          %mul3A_234 = arith.muli %add3A_232, %mul3A_233 : i32
          %get3A_235 = arith.index_cast %add3A_66 : i32 to index
          %get3A_236 = arith.index_cast %mul3A_234 : i32 to index
          %get3A_237 = tpu.vector_load %arg12[%get3A_235, %get3A_236] {strides = array<i32>} : memref<32x1024xf32, #tpu.memory_space<vmem>>, vector<1x16xf32>,
          %get3A_238 = vector.shape_cast %get3A_237 : vector<1x16xf32> to vector<16xf32>
          %mul3A_239 = arith.mulf %get3A_238, %get3A_72 : vector<16xf32>
          %get3A_240 = arith.index_cast %add3A_66 : i32 to index
          %get3A_241 = arith.index_cast %mul3A_234 : i32 to index
          %get3A_242 = tpu.vector_load %arg13[%get3A_240, %get3A_241] {strides = array<i32>} : memref<32x1024xf32, #tpu.memory_space<vmem>>, vector<1x16xf32>,
          %get3A_243 = vector.shape_cast %get3A_242 : vector<1x16xf32> to vector<16xf32>
          %mul3A_244 = arith.mulf %get3A_243, %get3A_79 : vector<16xf32>
          %add3A_245 = arith.addf %mul3A_239, %mul3A_244 : vector<16xf32>
          %swap3A_246 = arith.index_cast %add3A_66 : i32 to index
          %swap3A_247 = arith.index_cast %mul3A_234 : i32 to index
          %swap3A_248 = tpu.vector_load %arg14[%swap3A_246, %swap3A_247] {strides = array<i32>} : memref<32x1024xf32, #tpu.memory_space<vmem>>, vector<1x16xf32>,
          %swap3A_249 = vector.shape_cast %swap3A_248 : vector<1x16xf32> to vector<16xf32>
          %swap3A_250 = vector.shape_cast %add3A_245 : vector<16xf32> to vector<1x16xf32>
          tpu.vector_store %arg14[%swap3A_246, %swap3A_247], %swap3A_250 {strides = array<i32>} : memref<32x1024xf32, #tpu.memory_space<vmem>>, vector<1x16xf32>,
          %scan3A_251 = arith.constant 7 : i32
          %scan3A_252 = arith.addi %scan3A_85, %scan3A_251 : i32
          %mul3A_253 = arith.constant 1 : i32
          %mul3A_254 = arith.muli %scan3A_252, %mul3A_253 : i32
          %add3A_255 = arith.constant 0 : i32
          %add3A_256 = arith.addi %add3A_255, %mul3A_254 : i32
          %mul3A_257 = arith.constant 16 : i32
          %mul3A_258 = arith.muli %add3A_256, %mul3A_257 : i32
          %get3A_259 = arith.index_cast %add3A_66 : i32 to index
          %get3A_260 = arith.index_cast %mul3A_258 : i32 to index
          %get3A_261 = tpu.vector_load %arg12[%get3A_259, %get3A_260] {strides = array<i32>} : memref<32x1024xf32, #tpu.memory_space<vmem>>, vector<1x16xf32>,
          %get3A_262 = vector.shape_cast %get3A_261 : vector<1x16xf32> to vector<16xf32>
          %mul3A_263 = arith.mulf %get3A_262, %get3A_72 : vector<16xf32>
          %get3A_264 = arith.index_cast %add3A_66 : i32 to index
          %get3A_265 = arith.index_cast %mul3A_258 : i32 to index
          %get3A_266 = tpu.vector_load %arg13[%get3A_264, %get3A_265] {strides = array<i32>} : memref<32x1024xf32, #tpu.memory_space<vmem>>, vector<1x16xf32>,
          %get3A_267 = vector.shape_cast %get3A_266 : vector<1x16xf32> to vector<16xf32>
          %mul3A_268 = arith.mulf %get3A_267, %get3A_79 : vector<16xf32>
          %add3A_269 = arith.addf %mul3A_263, %mul3A_268 : vector<16xf32>
          %swap3A_270 = arith.index_cast %add3A_66 : i32 to index
          %swap3A_271 = arith.index_cast %mul3A_258 : i32 to index
          %swap3A_272 = tpu.vector_load %arg14[%swap3A_270, %swap3A_271] {strides = array<i32>} : memref<32x1024xf32, #tpu.memory_space<vmem>>, vector<1x16xf32>,
          %swap3A_273 = vector.shape_cast %swap3A_272 : vector<1x16xf32> to vector<16xf32>
          %swap3A_274 = vector.shape_cast %add3A_269 : vector<16xf32> to vector<1x16xf32>
          tpu.vector_store %arg14[%swap3A_270, %swap3A_271], %swap3A_274 {strides = array<i32>} : memref<32x1024xf32, #tpu.memory_space<vmem>>, vector<1x16xf32>,
        }
        %scan3A_84 = arith.constant 64 : i32
      }
      %scan3A_61 = arith.constant 32 : i32
      "tpu.region"() ({
        %run_scoped3A = tpu.sem_alloc : memref<!tpu.dma_semaphore, #tpu.memory_space<semaphore_mem>>
        %dma_start3A_62 = arith.constant 0 : i32
        %dma_start3A_63 = tpu.memref_slice %arg7[%add3A_36, %dma_start3A_62] : memref<2048x1024xf32, #tpu.memory_space<hbm>> -> memref<32x1024xf32, #tpu.memory_space<hbm>>
        %dma_start3A_64 = arith.constant 0 : i32
        %dma_start3A_65 = tpu.memref_slice %arg7[%add3A_36, %dma_start3A_64] : memref<2048x1024xf32, #tpu.memory_space<hbm>> -> memref<32x1024xf32, #tpu.memory_space<hbm>>
        tpu.enqueue_dma source(%arg14 : memref<32x1024xf32, #tpu.memory_space<vmem>>) target(%dma_start3A_65 : memref<32x1024xf32, #tpu.memory_space<hbm>>) target_semaphore(%run_scoped3A : memref<!tpu.dma_semaphore, #tpu.memory_space<semaphore_mem>>)
        %dma_wait3A_66 = arith.constant 0 : i32
        %dma_wait3A_67 = tpu.memref_slice %arg7[%add3A_36, %dma_wait3A_66] : memref<2048x1024xf32, #tpu.memory_space<hbm>> -> memref<32x1024xf32, #tpu.memory_space<hbm>>
        %dma_wait3A_68 = arith.constant 0 : i32
        %dma_wait3A_69 = tpu.memref_slice %arg7[%add3A_36, %dma_wait3A_68] : memref<2048x1024xf32, #tpu.memory_space<hbm>> -> memref<32x1024xf32, #tpu.memory_space<hbm>>
        tpu.wait_dma2 semaphore(%run_scoped3A : memref<!tpu.dma_semaphore, #tpu.memory_space<semaphore_mem>>) src(%arg14 : memref<32x1024xf32, #tpu.memory_space<vmem>>) dst(%dma_wait3A_69 : memref<32x1024xf32, #tpu.memory_space<hbm>>)
        tpu.yield
      }) : () -> ()
    }
    %scan3A_28 = arith.constant 2 : i32
    return
  }
}

module attributes {stable_mosaic.version = 14 : i64} {
  func.func @_gates_routing_kernel(%arg0: i32, %arg1: memref<1xf32, #tpu.memory_space<smem>>, %arg2: memref<512x1024xf32, #tpu.memory_space<vmem>>, %arg3: memref<1024x1024xf32, #tpu.memory_space<vmem>>, %arg4: memref<1x1024xf32, #tpu.memory_space<vmem>>, %arg5: memref<1024x8xf32, #tpu.memory_space<vmem>>, %arg6: memref<1x8xf32, #tpu.memory_space<vmem>>, %arg7: memref<512x8xf32, #tpu.memory_space<vmem>>, %arg8: memref<512x16xf32, #tpu.memory_space<vmem>>, %arg9: memref<512x16xf32, #tpu.memory_space<vmem>>, %arg10: memref<2048x1xi32, #tpu.memory_space<vmem>>, %arg11: memref<2048x1xi32, #tpu.memory_space<vmem>>, %arg12: memref<1x40xi32, #tpu.memory_space<vmem>>, %arg13: memref<1x40xi32, #tpu.memory_space<vmem>>, %arg14: memref<1x40xi32, #tpu.memory_space<vmem>>, %arg15: memref<1x8xi32, #tpu.memory_space<vmem>>, %arg16: memref<1x1xi32, #tpu.memory_space<vmem>>, %arg17: memref<2048x8xf32, #tpu.memory_space<vmem>>, %arg18: memref<2048x8xf32, #tpu.memory_space<vmem>>, %arg19: memref<1x8xf32, #tpu.memory_space<vmem>>) attributes {dimension_semantics = [#tpu.dimension_semantics<arbitrary>], iteration_bounds = array<i64: 5>, scalar_prefetch = 0 : i64, scratch_operands = 3 : i64, tpu.core_type = #tpu.core_type<tc>, window_params = [{transform_indices = @transform_0, window_bounds = array<i64: 1>}, {transform_indices = @transform_1, window_bounds = array<i64: 512, 1024>}, {pipeline_mode = #tpu.pipeline_mode<synchronous>, transform_indices = @transform_2, window_bounds = array<i64: 1024, 1024>}, {pipeline_mode = #tpu.pipeline_mode<synchronous>, transform_indices = @transform_3, window_bounds = array<i64: 1, 1024>}, {pipeline_mode = #tpu.pipeline_mode<synchronous>, transform_indices = @transform_4, window_bounds = array<i64: 1024, 8>}, {pipeline_mode = #tpu.pipeline_mode<synchronous>, transform_indices = @transform_5, window_bounds = array<i64: 1, 8>}, {transform_indices = @transform_6, window_bounds = array<i64: 512, 8>}, {transform_indices = @transform_7, window_bounds = array<i64: 512, 16>}, {transform_indices = @transform_8, window_bounds = array<i64: 512, 16>}, {pipeline_mode = #tpu.pipeline_mode<synchronous>, transform_indices = @transform_9, window_bounds = array<i64: 2048, 1>}, {pipeline_mode = #tpu.pipeline_mode<synchronous>, transform_indices = @transform_10, window_bounds = array<i64: 2048, 1>}, {pipeline_mode = #tpu.pipeline_mode<synchronous>, transform_indices = @transform_11, window_bounds = array<i64: 1, 40>}, {pipeline_mode = #tpu.pipeline_mode<synchronous>, transform_indices = @transform_12, window_bounds = array<i64: 1, 40>}, {pipeline_mode = #tpu.pipeline_mode<synchronous>, transform_indices = @transform_13, window_bounds = array<i64: 1, 40>}, {pipeline_mode = #tpu.pipeline_mode<synchronous>, transform_indices = @transform_14, window_bounds = array<i64: 1, 8>}, {pipeline_mode = #tpu.pipeline_mode<synchronous>, transform_indices = @transform_15, window_bounds = array<i64: 1, 1>}]} {
    %eq3A = arith.constant 0 : i32
    %eq3A_0 = arith.cmpi eq, %arg0, %eq3A : i32
    %convert_element_type3A = arith.extui %eq3A_0 : i1 to i32
    %cond3A = arith.constant 0 : i32
    %cond3A_1 = arith.cmpi ne, %convert_element_type3A, %cond3A : i32
    scf.if %cond3A_1 {
      %broadcast_in_dim3A = arith.constant 0.000000e+00 : f32
      %broadcast_in_dim3A_12 = vector.broadcast %broadcast_in_dim3A : f32 to vector<1x8xf32>
      %swap3A = arith.constant 0 : index
      %swap3A_13 = arith.constant 0 : index
      %swap3A_14 = vector.load %arg19[%swap3A, %swap3A_13] : memref<1x8xf32, #tpu.memory_space<vmem>>, vector<1x8xf32>
      tpu.vector_store %arg19[%swap3A, %swap3A_13], %broadcast_in_dim3A_12 {strides = array<i32>} : memref<1x8xf32, #tpu.memory_space<vmem>>, vector<1x8xf32>,
    } else {
    }
    %lt3A = arith.constant 4 : i32
    %lt3A_2 = arith.cmpi slt, %arg0, %lt3A : i32
    %convert_element_type3A_3 = arith.extui %lt3A_2 : i1 to i32
    %cond3A_4 = arith.constant 0 : i32
    %cond3A_5 = arith.cmpi ne, %convert_element_type3A_3, %cond3A_4 : i32
    scf.if %cond3A_5 {
      %get3A = arith.constant 0 : index
      %get3A_12 = arith.constant 0 : index
      %get3A_13 = vector.load %arg2[%get3A, %get3A_12] : memref<512x1024xf32, #tpu.memory_space<vmem>>, vector<512x1024xf32>
      %convert_element_type3A_14 = arith.truncf %get3A_13 : vector<512x1024xf32> to vector<512x1024xbf16>
      %get3A_15 = arith.constant 0 : index
      %get3A_16 = arith.constant 0 : index
      %get3A_17 = vector.load %arg3[%get3A_15, %get3A_16] : memref<1024x1024xf32, #tpu.memory_space<vmem>>, vector<1024x1024xf32>
      %convert_element_type3A_18 = arith.truncf %get3A_17 : vector<1024x1024xf32> to vector<1024x1024xbf16>
      %dot_general3A = arith.constant dense<0.000000e+00> : vector<512x1024xf32>
      %dot_general3A_19 = tpu.matmul %convert_element_type3A_14, %convert_element_type3A_18, %dot_general3A {dimension_numbers = #tpu.dot_dimension_numbers<[1], [0], [0], [1], [0, 0, 1, 1], [], []>, transpose_lhs_hint = false} : vector<512x1024xbf16>, vector<1024x1024xbf16>, vector<512x1024xf32> -> vector<512x1024xf32>
      %get3A_20 = arith.constant 0 : index
      %get3A_21 = arith.constant 0 : index
      %get3A_22 = vector.load %arg4[%get3A_20, %get3A_21] : memref<1x1024xf32, #tpu.memory_space<vmem>>, vector<1x1024xf32>
      %add3A = vector.broadcast %get3A_22 : vector<1x1024xf32> to vector<512x1024xf32>
      %add3A_23 = arith.addf %dot_general3A_19, %add3A : vector<512x1024xf32>
      %max3A = arith.constant 0.000000e+00 : f32
      %max3A_24 = vector.broadcast %max3A : f32 to vector<512x1024xf32>
      %max3A_25 = arith.maximumf %add3A_23, %max3A_24 : vector<512x1024xf32>
      %convert_element_type3A_26 = arith.truncf %max3A_25 : vector<512x1024xf32> to vector<512x1024xbf16>
      %get3A_27 = arith.constant 0 : index
      %get3A_28 = arith.constant 0 : index
      %get3A_29 = vector.load %arg5[%get3A_27, %get3A_28] : memref<1024x8xf32, #tpu.memory_space<vmem>>, vector<1024x8xf32>
      %convert_element_type3A_30 = arith.truncf %get3A_29 : vector<1024x8xf32> to vector<1024x8xbf16>
      %dot_general3A_31 = arith.constant dense<0.000000e+00> : vector<512x8xf32>
      %dot_general3A_32 = tpu.matmul %convert_element_type3A_26, %convert_element_type3A_30, %dot_general3A_31 {dimension_numbers = #tpu.dot_dimension_numbers<[1], [0], [0], [1], [0, 0, 1, 1], [], []>, transpose_lhs_hint = false} : vector<512x1024xbf16>, vector<1024x8xbf16>, vector<512x8xf32> -> vector<512x8xf32>
      %get3A_33 = arith.constant 0 : index
      %get3A_34 = arith.constant 0 : index
      %get3A_35 = vector.load %arg6[%get3A_33, %get3A_34] : memref<1x8xf32, #tpu.memory_space<vmem>>, vector<1x8xf32>
      %add3A_36 = vector.broadcast %get3A_35 : vector<1x8xf32> to vector<512x8xf32>
      %add3A_37 = arith.addf %dot_general3A_32, %add3A_36 : vector<512x8xf32>
      %get3A_38 = arith.constant 0 : index
      %get3A_39 = memref.load %arg1[%get3A_38] : memref<1xf32, #tpu.memory_space<smem>>
      %div3A = vector.broadcast %get3A_39 : f32 to vector<512x8xf32>
      %div3A_40 = arith.divf %add3A_37, %div3A : vector<512x8xf32>
      %iota3A = tpu.iota {dimensions = array<i32: 1>} : vector<512x8xi32>
      %reduce_max3A = arith.constant dense<0xFF800000> : vector<512xf32>
      %reduce_max3A_41 = vector.multi_reduction <maximumf>, %div3A_40, %reduce_max3A [1] : vector<512x8xf32> to vector<512xf32>
      %broadcast_in_dim3A = vector.shape_cast %reduce_max3A_41 : vector<512xf32> to vector<512x1xf32>
      %eq3A_42 = vector.broadcast %broadcast_in_dim3A : vector<512x1xf32> to vector<512x8xf32>
      %eq3A_43 = arith.cmpf oeq, %div3A_40, %eq3A_42 : vector<512x8xf32>
      %jit3A = arith.constant 8 : i32
      %broadcast_in_dim3A_44 = vector.broadcast %jit3A : i32 to vector<512x8xi32>
      %select_n3A = arith.select %eq3A_43, %iota3A, %broadcast_in_dim3A_44 : vector<512x8xi1>, vector<512x8xi32>
      %reduce_min3A = arith.constant dense<2147483647> : vector<512xi32>
      %reduce_min3A_45 = vector.multi_reduction <minsi>, %select_n3A, %reduce_min3A [1] : vector<512x8xi32> to vector<512xi32>
      %broadcast_in_dim3A_46 = vector.shape_cast %reduce_min3A_45 : vector<512xi32> to vector<512x1xi32>
      %eq3A_47 = vector.broadcast %broadcast_in_dim3A_46 : vector<512x1xi32> to vector<512x8xi32>
      %eq3A_48 = arith.cmpi eq, %iota3A, %eq3A_47 : vector<512x8xi32>
      %jit3A_49 = arith.constant 0xFF800000 : f32
      %broadcast_in_dim3A_50 = vector.broadcast %jit3A_49 : f32 to vector<512x8xf32>
      %select_n3A_51 = arith.select %eq3A_48, %broadcast_in_dim3A_50, %div3A_40 : vector<512x8xi1>, vector<512x8xf32>
      %reduce_max3A_52 = arith.constant dense<0xFF800000> : vector<512xf32>
      %reduce_max3A_53 = vector.multi_reduction <maximumf>, %select_n3A_51, %reduce_max3A_52 [1] : vector<512x8xf32> to vector<512xf32>
      %broadcast_in_dim3A_54 = vector.shape_cast %reduce_max3A_53 : vector<512xf32> to vector<512x1xf32>
      %eq3A_55 = vector.broadcast %broadcast_in_dim3A_54 : vector<512x1xf32> to vector<512x8xf32>
      %eq3A_56 = arith.cmpf oeq, %select_n3A_51, %eq3A_55 : vector<512x8xf32>
      %jit3A_57 = arith.constant 8 : i32
      %broadcast_in_dim3A_58 = vector.broadcast %jit3A_57 : i32 to vector<512x8xi32>
      %select_n3A_59 = arith.select %eq3A_56, %iota3A, %broadcast_in_dim3A_58 : vector<512x8xi1>, vector<512x8xi32>
      %reduce_min3A_60 = arith.constant dense<2147483647> : vector<512xi32>
      %reduce_min3A_61 = vector.multi_reduction <minsi>, %select_n3A_59, %reduce_min3A_60 [1] : vector<512x8xi32> to vector<512xi32>
      %broadcast_in_dim3A_62 = vector.shape_cast %reduce_min3A_61 : vector<512xi32> to vector<512x1xi32>
      %eq3A_63 = vector.broadcast %broadcast_in_dim3A_62 : vector<512x1xi32> to vector<512x8xi32>
      %eq3A_64 = arith.cmpi eq, %iota3A, %eq3A_63 : vector<512x8xi32>
      %sub3A = arith.subf %broadcast_in_dim3A_54, %broadcast_in_dim3A : vector<512x1xf32>
      %exp3A = math.exp %sub3A : vector<512x1xf32>
      %add3A_65 = arith.constant 1.000000e+00 : f32
      %add3A_66 = vector.broadcast %add3A_65 : f32 to vector<512x1xf32>
      %add3A_67 = arith.addf %add3A_66, %exp3A : vector<512x1xf32>
      %div3A_68 = arith.constant 1.000000e+00 : f32
      %div3A_69 = vector.broadcast %div3A_68 : f32 to vector<512x1xf32>
      %div3A_70 = arith.divf %div3A_69, %add3A_67 : vector<512x1xf32>
      %div3A_71 = arith.divf %exp3A, %add3A_67 : vector<512x1xf32>
      %jit3A_72 = arith.constant 0.000000e+00 : f32
      %broadcast_in_dim3A_73 = vector.shape_cast %div3A_70 : vector<512x1xf32> to vector<512x1xf32>
      %broadcast_in_dim3A_74 = vector.broadcast %broadcast_in_dim3A_73 : vector<512x1xf32> to vector<512x8xf32>
      %broadcast_in_dim3A_75 = vector.broadcast %jit3A_72 : f32 to vector<512x8xf32>
      %select_n3A_76 = arith.select %eq3A_48, %broadcast_in_dim3A_74, %broadcast_in_dim3A_75 : vector<512x8xi1>, vector<512x8xf32>
      %jit3A_77 = arith.constant 0.000000e+00 : f32
      %broadcast_in_dim3A_78 = vector.shape_cast %div3A_71 : vector<512x1xf32> to vector<512x1xf32>
      %broadcast_in_dim3A_79 = vector.broadcast %broadcast_in_dim3A_78 : vector<512x1xf32> to vector<512x8xf32>
      %broadcast_in_dim3A_80 = vector.broadcast %jit3A_77 : f32 to vector<512x8xf32>
      %select_n3A_81 = arith.select %eq3A_64, %broadcast_in_dim3A_79, %broadcast_in_dim3A_80 : vector<512x8xi1>, vector<512x8xf32>
      %add3A_82 = arith.addf %select_n3A_76, %select_n3A_81 : vector<512x8xf32>
      %swap3A = arith.constant 0 : index
      %swap3A_83 = arith.constant 0 : index
      %swap3A_84 = vector.load %arg7[%swap3A, %swap3A_83] : memref<512x8xf32, #tpu.memory_space<vmem>>, vector<512x8xf32>
      tpu.vector_store %arg7[%swap3A, %swap3A_83], %add3A_82 {strides = array<i32>} : memref<512x8xf32, #tpu.memory_space<vmem>>, vector<512x8xf32>,
      %broadcast_in_dim3A_85 = vector.shape_cast %div3A_70 : vector<512x1xf32> to vector<512x1xf32>
      %broadcast_in_dim3A_86 = vector.broadcast %broadcast_in_dim3A_85 : vector<512x1xf32> to vector<512x16xf32>
      %swap3A_87 = arith.constant 0 : index
      %swap3A_88 = arith.constant 0 : index
      %swap3A_89 = vector.load %arg8[%swap3A_87, %swap3A_88] : memref<512x16xf32, #tpu.memory_space<vmem>>, vector<512x16xf32>
      tpu.vector_store %arg8[%swap3A_87, %swap3A_88], %broadcast_in_dim3A_86 {strides = array<i32>} : memref<512x16xf32, #tpu.memory_space<vmem>>, vector<512x16xf32>,
      %broadcast_in_dim3A_90 = vector.shape_cast %div3A_71 : vector<512x1xf32> to vector<512x1xf32>
      %broadcast_in_dim3A_91 = vector.broadcast %broadcast_in_dim3A_90 : vector<512x1xf32> to vector<512x16xf32>
      %swap3A_92 = arith.constant 0 : index
      %swap3A_93 = arith.constant 0 : index
      %swap3A_94 = vector.load %arg9[%swap3A_92, %swap3A_93] : memref<512x16xf32, #tpu.memory_space<vmem>>, vector<512x16xf32>
      tpu.vector_store %arg9[%swap3A_92, %swap3A_93], %broadcast_in_dim3A_91 {strides = array<i32>} : memref<512x16xf32, #tpu.memory_space<vmem>>, vector<512x16xf32>,
      %convert_element_type3A_95 = arith.extui %eq3A_48 : vector<512x8xi1> to vector<512x8xi32>
      %convert_element_type3A_96 = arith.sitofp %convert_element_type3A_95 : vector<512x8xi32> to vector<512x8xf32>
      %convert_element_type3A_97 = arith.extui %eq3A_64 : vector<512x8xi1> to vector<512x8xi32>
      %convert_element_type3A_98 = arith.sitofp %convert_element_type3A_97 : vector<512x8xi32> to vector<512x8xf32>
      %add3A_99 = arith.addf %convert_element_type3A_96, %convert_element_type3A_98 : vector<512x8xf32>
      %iota3A_100 = tpu.iota {dimensions = array<i32: 0>} : vector<512x512xi32>
      %iota3A_101 = tpu.iota {dimensions = array<i32: 1>} : vector<512x512xi32>
      %gt3A = arith.cmpi sgt, %iota3A_100, %iota3A_101 : vector<512x512xi32>
      %convert_element_type3A_102 = arith.extui %gt3A : vector<512x512xi1> to vector<512x512xi32>
      %convert_element_type3A_103 = arith.sitofp %convert_element_type3A_102 : vector<512x512xi32> to vector<512x512xf32>
      %dot_general3A_104 = arith.constant dense<0.000000e+00> : vector<512x8xf32>
      %dot_general3A_105 = tpu.matmul %convert_element_type3A_103, %add3A_99, %dot_general3A_104 {dimension_numbers = #tpu.dot_dimension_numbers<[1], [0], [0], [1], [0, 0, 1, 1], [], []>, transpose_lhs_hint = false} : vector<512x512xf32>, vector<512x8xf32>, vector<512x8xf32> -> vector<512x8xf32>
      %mul3A = arith.constant 512 : i32
      %mul3A_106 = arith.muli %arg0, %mul3A : i32
      %convert_element_type3A_107 = arith.extui %eq3A_48 : vector<512x8xi1> to vector<512x8xi32>
      %convert_element_type3A_108 = arith.sitofp %convert_element_type3A_107 : vector<512x8xi32> to vector<512x8xf32>
      %mul3A_109 = arith.constant 1.000000e+00 : f32
      %mul3A_110 = vector.broadcast %mul3A_109 : f32 to vector<512x8xf32>
      %mul3A_111 = arith.mulf %convert_element_type3A_108, %mul3A_110 : vector<512x8xf32>
      %convert_element_type3A_112 = arith.extui %eq3A_64 : vector<512x8xi1> to vector<512x8xi32>
      %convert_element_type3A_113 = arith.sitofp %convert_element_type3A_112 : vector<512x8xi32> to vector<512x8xf32>
      %mul3A_114 = arith.constant 2.000000e+00 : f32
      %mul3A_115 = vector.broadcast %mul3A_114 : f32 to vector<512x8xf32>
      %mul3A_116 = arith.mulf %convert_element_type3A_113, %mul3A_115 : vector<512x8xf32>
      %add3A_117 = arith.addf %mul3A_111, %mul3A_116 : vector<512x8xf32>
      %swap3A_118 = arith.index_cast %mul3A_106 : i32 to index
      %swap3A_119 = arith.constant 0 : index
      %swap3A_120 = vector.load %arg17[%swap3A_118, %swap3A_119] : memref<2048x8xf32, #tpu.memory_space<vmem>>, vector<512x8xf32>
      tpu.vector_store %arg17[%swap3A_118, %swap3A_119], %add3A_117 {strides = array<i32>} : memref<2048x8xf32, #tpu.memory_space<vmem>>, vector<512x8xf32>,
      %get3A_121 = arith.constant 0 : index
      %get3A_122 = arith.constant 0 : index
      %get3A_123 = vector.load %arg19[%get3A_121, %get3A_122] : memref<1x8xf32, #tpu.memory_space<vmem>>, vector<1x8xf32>
      %add3A_124 = vector.broadcast %get3A_123 : vector<1x8xf32> to vector<512x8xf32>
      %add3A_125 = arith.addf %add3A_124, %dot_general3A_105 : vector<512x8xf32>
      %swap3A_126 = arith.index_cast %mul3A_106 : i32 to index
      %swap3A_127 = arith.constant 0 : index
      %swap3A_128 = vector.load %arg18[%swap3A_126, %swap3A_127] : memref<2048x8xf32, #tpu.memory_space<vmem>>, vector<512x8xf32>
      tpu.vector_store %arg18[%swap3A_126, %swap3A_127], %add3A_125 {strides = array<i32>} : memref<2048x8xf32, #tpu.memory_space<vmem>>, vector<512x8xf32>,
      %get3A_129 = arith.constant 0 : index
      %get3A_130 = arith.constant 0 : index
      %get3A_131 = vector.load %arg19[%get3A_129, %get3A_130] : memref<1x8xf32, #tpu.memory_space<vmem>>, vector<1x8xf32>
      %reduce_sum3A = arith.constant dense<0.000000e+00> : vector<8xf32>
      %reduce_sum3A_132 = vector.multi_reduction <add>, %add3A_99, %reduce_sum3A [0] : vector<512x8xf32> to vector<8xf32>
      %broadcast_in_dim3A_133 = vector.shape_cast %reduce_sum3A_132 : vector<8xf32> to vector<1x8xf32>
      %add3A_134 = arith.addf %get3A_131, %broadcast_in_dim3A_133 : vector<1x8xf32>
      %swap3A_135 = arith.constant 0 : index
      %swap3A_136 = arith.constant 0 : index
      %swap3A_137 = vector.load %arg19[%swap3A_135, %swap3A_136] : memref<1x8xf32, #tpu.memory_space<vmem>>, vector<1x8xf32>
      tpu.vector_store %arg19[%swap3A_135, %swap3A_136], %add3A_134 {strides = array<i32>} : memref<1x8xf32, #tpu.memory_space<vmem>>, vector<1x8xf32>,
    } else {
    }
    %eq3A_6 = arith.constant 4 : i32
    %eq3A_7 = arith.cmpi eq, %arg0, %eq3A_6 : i32
    %convert_element_type3A_8 = arith.extui %eq3A_7 : i1 to i32
    %cond3A_9 = arith.constant 1.280000e+02 : f32
    %cond3A_10 = arith.constant 0 : i32
    %cond3A_11 = arith.cmpi ne, %convert_element_type3A_8, %cond3A_10 : i32
    scf.if %cond3A_11 {
      %get3A = arith.constant 0 : index
      %get3A_12 = arith.constant 0 : index
      %get3A_13 = vector.load %arg19[%get3A, %get3A_12] : memref<1x8xf32, #tpu.memory_space<vmem>>, vector<1x8xf32>
      %sub3A = arith.constant 1.000000e+00 : f32
      %sub3A_14 = arith.subf %cond3A_9, %sub3A : f32
      %add3A = vector.broadcast %sub3A_14 : f32 to vector<1x8xf32>
      %add3A_15 = arith.addf %get3A_13, %add3A : vector<1x8xf32>
      %div3A = arith.constant 1.000000e+00 : f32
      %div3A_16 = arith.divf %div3A, %cond3A_9 : f32
      %mul3A = vector.broadcast %div3A_16 : f32 to vector<1x8xf32>
      %mul3A_17 = arith.mulf %add3A_15, %mul3A : vector<1x8xf32>
      %floor3A = math.floor %mul3A_17 : vector<1x8xf32>
      %mul3A_18 = vector.broadcast %cond3A_9 : f32 to vector<1x8xf32>
      %mul3A_19 = arith.mulf %floor3A, %mul3A_18 : vector<1x8xf32>
      %iota3A = tpu.iota {dimensions = array<i32: 0>} : vector<8x8xi32>
      %iota3A_20 = tpu.iota {dimensions = array<i32: 1>} : vector<8x8xi32>
      %lt3A_21 = arith.cmpi slt, %iota3A, %iota3A_20 : vector<8x8xi32>
      %convert_element_type3A_22 = arith.extui %lt3A_21 : vector<8x8xi1> to vector<8x8xi32>
      %convert_element_type3A_23 = arith.sitofp %convert_element_type3A_22 : vector<8x8xi32> to vector<8x8xf32>
      %dot_general3A = arith.constant dense<0.000000e+00> : vector<1x8xf32>
      %dot_general3A_24 = tpu.matmul %mul3A_19, %convert_element_type3A_23, %dot_general3A {dimension_numbers = #tpu.dot_dimension_numbers<[1], [0], [0], [1], [0, 0, 1, 1], [], []>, transpose_lhs_hint = false} : vector<1x8xf32>, vector<8x8xf32>, vector<1x8xf32> -> vector<1x8xf32>
      %get3A_25 = arith.constant 0 : index
      %get3A_26 = arith.constant 0 : index
      %get3A_27 = vector.load %arg18[%get3A_25, %get3A_26] : memref<2048x8xf32, #tpu.memory_space<vmem>>, vector<2048x8xf32>
      %add3A_28 = vector.broadcast %dot_general3A_24 : vector<1x8xf32> to vector<2048x8xf32>
      %add3A_29 = arith.addf %add3A_28, %get3A_27 : vector<2048x8xf32>
      %get3A_30 = arith.constant 0 : index
      %get3A_31 = arith.constant 0 : index
      %get3A_32 = vector.load %arg17[%get3A_30, %get3A_31] : memref<2048x8xf32, #tpu.memory_space<vmem>>, vector<2048x8xf32>
      %eq3A_33 = arith.constant 1.000000e+00 : f32
      %eq3A_34 = vector.broadcast %eq3A_33 : f32 to vector<2048x8xf32>
      %eq3A_35 = arith.cmpf oeq, %get3A_32, %eq3A_34 : vector<2048x8xf32>
      %jit3A = arith.constant 0.000000e+00 : f32
      %broadcast_in_dim3A = vector.broadcast %jit3A : f32 to vector<2048x8xf32>
      %select_n3A = arith.select %eq3A_35, %add3A_29, %broadcast_in_dim3A : vector<2048x8xi1>, vector<2048x8xf32>
      %reduce_sum3A = arith.constant dense<0.000000e+00> : vector<2048xf32>
      %reduce_sum3A_36 = vector.multi_reduction <add>, %select_n3A, %reduce_sum3A [1] : vector<2048x8xf32> to vector<2048xf32>
      %broadcast_in_dim3A_37 = vector.shape_cast %reduce_sum3A_36 : vector<2048xf32> to vector<2048x1xf32>
      %eq3A_38 = arith.constant 2.000000e+00 : f32
      %eq3A_39 = vector.broadcast %eq3A_38 : f32 to vector<2048x8xf32>
      %eq3A_40 = arith.cmpf oeq, %get3A_32, %eq3A_39 : vector<2048x8xf32>
      %jit3A_41 = arith.constant 0.000000e+00 : f32
      %broadcast_in_dim3A_42 = vector.broadcast %jit3A_41 : f32 to vector<2048x8xf32>
      %select_n3A_43 = arith.select %eq3A_40, %add3A_29, %broadcast_in_dim3A_42 : vector<2048x8xi1>, vector<2048x8xf32>
      %reduce_sum3A_44 = arith.constant dense<0.000000e+00> : vector<2048xf32>
      %reduce_sum3A_45 = vector.multi_reduction <add>, %select_n3A_43, %reduce_sum3A_44 [1] : vector<2048x8xf32> to vector<2048xf32>
      %broadcast_in_dim3A_46 = vector.shape_cast %reduce_sum3A_45 : vector<2048xf32> to vector<2048x1xf32>
      %convert_element_type3A_47 = arith.fptosi %broadcast_in_dim3A_37 : vector<2048x1xf32> to vector<2048x1xi32>
      %swap3A = arith.constant 0 : index
      %swap3A_48 = arith.constant 0 : index
      %swap3A_49 = vector.load %arg10[%swap3A, %swap3A_48] : memref<2048x1xi32, #tpu.memory_space<vmem>>, vector<2048x1xi32>
      tpu.vector_store %arg10[%swap3A, %swap3A_48], %convert_element_type3A_47 {strides = array<i32>} : memref<2048x1xi32, #tpu.memory_space<vmem>>, vector<2048x1xi32>,
      %convert_element_type3A_50 = arith.fptosi %broadcast_in_dim3A_46 : vector<2048x1xf32> to vector<2048x1xi32>
      %swap3A_51 = arith.constant 0 : index
      %swap3A_52 = arith.constant 0 : index
      %swap3A_53 = vector.load %arg11[%swap3A_51, %swap3A_52] : memref<2048x1xi32, #tpu.memory_space<vmem>>, vector<2048x1xi32>
      tpu.vector_store %arg11[%swap3A_51, %swap3A_52], %convert_element_type3A_50 {strides = array<i32>} : memref<2048x1xi32, #tpu.memory_space<vmem>>, vector<2048x1xi32>,
      %add3A_54 = arith.addf %dot_general3A_24, %mul3A_19 : vector<1x8xf32>
      %iota3A_55 = tpu.iota {dimensions = array<i32: 1>} : vector<1x40xi32>
      %convert_element_type3A_56 = arith.sitofp %iota3A_55 : vector<1x40xi32> to vector<1x40xf32>
      %mul3A_57 = vector.broadcast %cond3A_9 : f32 to vector<1x40xf32>
      %mul3A_58 = arith.mulf %convert_element_type3A_56, %mul3A_57 : vector<1x40xf32>
      %iota3A_59 = tpu.iota {dimensions = array<i32: 1>} : vector<1x8xi32>
      %broadcast_in_dim3A_60 = arith.constant 0.000000e+00 : f32
      %broadcast_in_dim3A_61 = vector.broadcast %broadcast_in_dim3A_60 : f32 to vector<1x40xf32>
      %eq3A_62 = arith.constant 0 : i32
      %eq3A_63 = vector.broadcast %eq3A_62 : i32 to vector<1x8xi32>
      %eq3A_64 = arith.cmpi eq, %iota3A_59, %eq3A_63 : vector<1x8xi32>
      %jit3A_65 = arith.constant 0.000000e+00 : f32
      %broadcast_in_dim3A_66 = vector.broadcast %jit3A_65 : f32 to vector<1x8xf32>
      %select_n3A_67 = arith.select %eq3A_64, %add3A_54, %broadcast_in_dim3A_66 : vector<1x8xi1>, vector<1x8xf32>
      %reduce_sum3A_68 = vector.shape_cast %select_n3A_67 : vector<1x8xf32> to vector<1x1x8xf32>
      %reduce_sum3A_69 = arith.constant dense<0.000000e+00> : vector<1xf32>
      %reduce_sum3A_70 = vector.multi_reduction <add>, %reduce_sum3A_68, %reduce_sum3A_69 [1, 2] : vector<1x1x8xf32> to vector<1xf32>
      %reduce_sum3A_71 = vector.shape_cast %reduce_sum3A_70 : vector<1xf32> to vector<1x1x1xf32>
      %reduce_sum3A_72 = vector.extract %reduce_sum3A_71[0, 0, 0] : f32 from vector<1x1x1xf32>
      %ge3A = vector.broadcast %reduce_sum3A_72 : f32 to vector<1x40xf32>
      %ge3A_73 = arith.cmpf oge, %mul3A_58, %ge3A : vector<1x40xf32>
      %convert_element_type3A_74 = arith.extui %ge3A_73 : vector<1x40xi1> to vector<1x40xi32>
      %convert_element_type3A_75 = arith.sitofp %convert_element_type3A_74 : vector<1x40xi32> to vector<1x40xf32>
      %add3A_76 = arith.addf %broadcast_in_dim3A_61, %convert_element_type3A_75 : vector<1x40xf32>
      %eq3A_77 = arith.constant 1 : i32
      %eq3A_78 = vector.broadcast %eq3A_77 : i32 to vector<1x8xi32>
      %eq3A_79 = arith.cmpi eq, %iota3A_59, %eq3A_78 : vector<1x8xi32>
      %jit3A_80 = arith.constant 0.000000e+00 : f32
      %broadcast_in_dim3A_81 = vector.broadcast %jit3A_80 : f32 to vector<1x8xf32>
      %select_n3A_82 = arith.select %eq3A_79, %add3A_54, %broadcast_in_dim3A_81 : vector<1x8xi1>, vector<1x8xf32>
      %reduce_sum3A_83 = vector.shape_cast %select_n3A_82 : vector<1x8xf32> to vector<1x1x8xf32>
      %reduce_sum3A_84 = arith.constant dense<0.000000e+00> : vector<1xf32>
      %reduce_sum3A_85 = vector.multi_reduction <add>, %reduce_sum3A_83, %reduce_sum3A_84 [1, 2] : vector<1x1x8xf32> to vector<1xf32>
      %reduce_sum3A_86 = vector.shape_cast %reduce_sum3A_85 : vector<1xf32> to vector<1x1x1xf32>
      %reduce_sum3A_87 = vector.extract %reduce_sum3A_86[0, 0, 0] : f32 from vector<1x1x1xf32>
      %ge3A_88 = vector.broadcast %reduce_sum3A_87 : f32 to vector<1x40xf32>
      %ge3A_89 = arith.cmpf oge, %mul3A_58, %ge3A_88 : vector<1x40xf32>
      %convert_element_type3A_90 = arith.extui %ge3A_89 : vector<1x40xi1> to vector<1x40xi32>
      %convert_element_type3A_91 = arith.sitofp %convert_element_type3A_90 : vector<1x40xi32> to vector<1x40xf32>
      %add3A_92 = arith.addf %add3A_76, %convert_element_type3A_91 : vector<1x40xf32>
      %eq3A_93 = arith.constant 2 : i32
      %eq3A_94 = vector.broadcast %eq3A_93 : i32 to vector<1x8xi32>
      %eq3A_95 = arith.cmpi eq, %iota3A_59, %eq3A_94 : vector<1x8xi32>
      %jit3A_96 = arith.constant 0.000000e+00 : f32
      %broadcast_in_dim3A_97 = vector.broadcast %jit3A_96 : f32 to vector<1x8xf32>
      %select_n3A_98 = arith.select %eq3A_95, %add3A_54, %broadcast_in_dim3A_97 : vector<1x8xi1>, vector<1x8xf32>
      %reduce_sum3A_99 = vector.shape_cast %select_n3A_98 : vector<1x8xf32> to vector<1x1x8xf32>
      %reduce_sum3A_100 = arith.constant dense<0.000000e+00> : vector<1xf32>
      %reduce_sum3A_101 = vector.multi_reduction <add>, %reduce_sum3A_99, %reduce_sum3A_100 [1, 2] : vector<1x1x8xf32> to vector<1xf32>
      %reduce_sum3A_102 = vector.shape_cast %reduce_sum3A_101 : vector<1xf32> to vector<1x1x1xf32>
      %reduce_sum3A_103 = vector.extract %reduce_sum3A_102[0, 0, 0] : f32 from vector<1x1x1xf32>
      %ge3A_104 = vector.broadcast %reduce_sum3A_103 : f32 to vector<1x40xf32>
      %ge3A_105 = arith.cmpf oge, %mul3A_58, %ge3A_104 : vector<1x40xf32>
      %convert_element_type3A_106 = arith.extui %ge3A_105 : vector<1x40xi1> to vector<1x40xi32>
      %convert_element_type3A_107 = arith.sitofp %convert_element_type3A_106 : vector<1x40xi32> to vector<1x40xf32>
      %add3A_108 = arith.addf %add3A_92, %convert_element_type3A_107 : vector<1x40xf32>
      %eq3A_109 = arith.constant 3 : i32
      %eq3A_110 = vector.broadcast %eq3A_109 : i32 to vector<1x8xi32>
      %eq3A_111 = arith.cmpi eq, %iota3A_59, %eq3A_110 : vector<1x8xi32>
      %jit3A_112 = arith.constant 0.000000e+00 : f32
      %broadcast_in_dim3A_113 = vector.broadcast %jit3A_112 : f32 to vector<1x8xf32>
      %select_n3A_114 = arith.select %eq3A_111, %add3A_54, %broadcast_in_dim3A_113 : vector<1x8xi1>, vector<1x8xf32>
      %reduce_sum3A_115 = vector.shape_cast %select_n3A_114 : vector<1x8xf32> to vector<1x1x8xf32>
      %reduce_sum3A_116 = arith.constant dense<0.000000e+00> : vector<1xf32>
      %reduce_sum3A_117 = vector.multi_reduction <add>, %reduce_sum3A_115, %reduce_sum3A_116 [1, 2] : vector<1x1x8xf32> to vector<1xf32>
      %reduce_sum3A_118 = vector.shape_cast %reduce_sum3A_117 : vector<1xf32> to vector<1x1x1xf32>
      %reduce_sum3A_119 = vector.extract %reduce_sum3A_118[0, 0, 0] : f32 from vector<1x1x1xf32>
      %ge3A_120 = vector.broadcast %reduce_sum3A_119 : f32 to vector<1x40xf32>
      %ge3A_121 = arith.cmpf oge, %mul3A_58, %ge3A_120 : vector<1x40xf32>
      %convert_element_type3A_122 = arith.extui %ge3A_121 : vector<1x40xi1> to vector<1x40xi32>
      %convert_element_type3A_123 = arith.sitofp %convert_element_type3A_122 : vector<1x40xi32> to vector<1x40xf32>
      %add3A_124 = arith.addf %add3A_108, %convert_element_type3A_123 : vector<1x40xf32>
      %eq3A_125 = arith.constant 4 : i32
      %eq3A_126 = vector.broadcast %eq3A_125 : i32 to vector<1x8xi32>
      %eq3A_127 = arith.cmpi eq, %iota3A_59, %eq3A_126 : vector<1x8xi32>
      %jit3A_128 = arith.constant 0.000000e+00 : f32
      %broadcast_in_dim3A_129 = vector.broadcast %jit3A_128 : f32 to vector<1x8xf32>
      %select_n3A_130 = arith.select %eq3A_127, %add3A_54, %broadcast_in_dim3A_129 : vector<1x8xi1>, vector<1x8xf32>
      %reduce_sum3A_131 = vector.shape_cast %select_n3A_130 : vector<1x8xf32> to vector<1x1x8xf32>
      %reduce_sum3A_132 = arith.constant dense<0.000000e+00> : vector<1xf32>
      %reduce_sum3A_133 = vector.multi_reduction <add>, %reduce_sum3A_131, %reduce_sum3A_132 [1, 2] : vector<1x1x8xf32> to vector<1xf32>
      %reduce_sum3A_134 = vector.shape_cast %reduce_sum3A_133 : vector<1xf32> to vector<1x1x1xf32>
      %reduce_sum3A_135 = vector.extract %reduce_sum3A_134[0, 0, 0] : f32 from vector<1x1x1xf32>
      %ge3A_136 = vector.broadcast %reduce_sum3A_135 : f32 to vector<1x40xf32>
      %ge3A_137 = arith.cmpf oge, %mul3A_58, %ge3A_136 : vector<1x40xf32>
      %convert_element_type3A_138 = arith.extui %ge3A_137 : vector<1x40xi1> to vector<1x40xi32>
      %convert_element_type3A_139 = arith.sitofp %convert_element_type3A_138 : vector<1x40xi32> to vector<1x40xf32>
      %add3A_140 = arith.addf %add3A_124, %convert_element_type3A_139 : vector<1x40xf32>
      %eq3A_141 = arith.constant 5 : i32
      %eq3A_142 = vector.broadcast %eq3A_141 : i32 to vector<1x8xi32>
      %eq3A_143 = arith.cmpi eq, %iota3A_59, %eq3A_142 : vector<1x8xi32>
      %jit3A_144 = arith.constant 0.000000e+00 : f32
      %broadcast_in_dim3A_145 = vector.broadcast %jit3A_144 : f32 to vector<1x8xf32>
      %select_n3A_146 = arith.select %eq3A_143, %add3A_54, %broadcast_in_dim3A_145 : vector<1x8xi1>, vector<1x8xf32>
      %reduce_sum3A_147 = vector.shape_cast %select_n3A_146 : vector<1x8xf32> to vector<1x1x8xf32>
      %reduce_sum3A_148 = arith.constant dense<0.000000e+00> : vector<1xf32>
      %reduce_sum3A_149 = vector.multi_reduction <add>, %reduce_sum3A_147, %reduce_sum3A_148 [1, 2] : vector<1x1x8xf32> to vector<1xf32>
      %reduce_sum3A_150 = vector.shape_cast %reduce_sum3A_149 : vector<1xf32> to vector<1x1x1xf32>
      %reduce_sum3A_151 = vector.extract %reduce_sum3A_150[0, 0, 0] : f32 from vector<1x1x1xf32>
      %ge3A_152 = vector.broadcast %reduce_sum3A_151 : f32 to vector<1x40xf32>
      %ge3A_153 = arith.cmpf oge, %mul3A_58, %ge3A_152 : vector<1x40xf32>
      %convert_element_type3A_154 = arith.extui %ge3A_153 : vector<1x40xi1> to vector<1x40xi32>
      %convert_element_type3A_155 = arith.sitofp %convert_element_type3A_154 : vector<1x40xi32> to vector<1x40xf32>
      %add3A_156 = arith.addf %add3A_140, %convert_element_type3A_155 : vector<1x40xf32>
      %eq3A_157 = arith.constant 6 : i32
      %eq3A_158 = vector.broadcast %eq3A_157 : i32 to vector<1x8xi32>
      %eq3A_159 = arith.cmpi eq, %iota3A_59, %eq3A_158 : vector<1x8xi32>
      %jit3A_160 = arith.constant 0.000000e+00 : f32
      %broadcast_in_dim3A_161 = vector.broadcast %jit3A_160 : f32 to vector<1x8xf32>
      %select_n3A_162 = arith.select %eq3A_159, %add3A_54, %broadcast_in_dim3A_161 : vector<1x8xi1>, vector<1x8xf32>
      %reduce_sum3A_163 = vector.shape_cast %select_n3A_162 : vector<1x8xf32> to vector<1x1x8xf32>
      %reduce_sum3A_164 = arith.constant dense<0.000000e+00> : vector<1xf32>
      %reduce_sum3A_165 = vector.multi_reduction <add>, %reduce_sum3A_163, %reduce_sum3A_164 [1, 2] : vector<1x1x8xf32> to vector<1xf32>
      %reduce_sum3A_166 = vector.shape_cast %reduce_sum3A_165 : vector<1xf32> to vector<1x1x1xf32>
      %reduce_sum3A_167 = vector.extract %reduce_sum3A_166[0, 0, 0] : f32 from vector<1x1x1xf32>
      %ge3A_168 = vector.broadcast %reduce_sum3A_167 : f32 to vector<1x40xf32>
      %ge3A_169 = arith.cmpf oge, %mul3A_58, %ge3A_168 : vector<1x40xf32>
      %convert_element_type3A_170 = arith.extui %ge3A_169 : vector<1x40xi1> to vector<1x40xi32>
      %convert_element_type3A_171 = arith.sitofp %convert_element_type3A_170 : vector<1x40xi32> to vector<1x40xf32>
      %add3A_172 = arith.addf %add3A_156, %convert_element_type3A_171 : vector<1x40xf32>
      %eq3A_173 = arith.constant 7 : i32
      %eq3A_174 = vector.broadcast %eq3A_173 : i32 to vector<1x8xi32>
      %eq3A_175 = arith.cmpi eq, %iota3A_59, %eq3A_174 : vector<1x8xi32>
      %jit3A_176 = arith.constant 0.000000e+00 : f32
      %broadcast_in_dim3A_177 = vector.broadcast %jit3A_176 : f32 to vector<1x8xf32>
      %select_n3A_178 = arith.select %eq3A_175, %add3A_54, %broadcast_in_dim3A_177 : vector<1x8xi1>, vector<1x8xf32>
      %reduce_sum3A_179 = vector.shape_cast %select_n3A_178 : vector<1x8xf32> to vector<1x1x8xf32>
      %reduce_sum3A_180 = arith.constant dense<0.000000e+00> : vector<1xf32>
      %reduce_sum3A_181 = vector.multi_reduction <add>, %reduce_sum3A_179, %reduce_sum3A_180 [1, 2] : vector<1x1x8xf32> to vector<1xf32>
      %reduce_sum3A_182 = vector.shape_cast %reduce_sum3A_181 : vector<1xf32> to vector<1x1x1xf32>
      %reduce_sum3A_183 = vector.extract %reduce_sum3A_182[0, 0, 0] : f32 from vector<1x1x1xf32>
      %ge3A_184 = vector.broadcast %reduce_sum3A_183 : f32 to vector<1x40xf32>
      %ge3A_185 = arith.cmpf oge, %mul3A_58, %ge3A_184 : vector<1x40xf32>
      %convert_element_type3A_186 = arith.extui %ge3A_185 : vector<1x40xi1> to vector<1x40xi32>
      %convert_element_type3A_187 = arith.sitofp %convert_element_type3A_186 : vector<1x40xi32> to vector<1x40xf32>
      %add3A_188 = arith.addf %add3A_172, %convert_element_type3A_187 : vector<1x40xf32>
      %reduce_sum3A_189 = vector.shape_cast %mul3A_19 : vector<1x8xf32> to vector<1x1x8xf32>
      %reduce_sum3A_190 = arith.constant dense<0.000000e+00> : vector<1xf32>
      %reduce_sum3A_191 = vector.multi_reduction <add>, %reduce_sum3A_189, %reduce_sum3A_190 [1, 2] : vector<1x1x8xf32> to vector<1xf32>
      %reduce_sum3A_192 = vector.shape_cast %reduce_sum3A_191 : vector<1xf32> to vector<1x1x1xf32>
      %reduce_sum3A_193 = vector.extract %reduce_sum3A_192[0, 0, 0] : f32 from vector<1x1x1xf32>
      %min3A = arith.constant 7.000000e+00 : f32
      %min3A_194 = vector.broadcast %min3A : f32 to vector<1x40xf32>
      %min3A_195 = arith.minimumf %add3A_188, %min3A_194 : vector<1x40xf32>
      %convert_element_type3A_196 = arith.fptosi %min3A_195 : vector<1x40xf32> to vector<1x40xi32>
      %swap3A_197 = arith.constant 0 : index
      %swap3A_198 = arith.constant 0 : index
      %swap3A_199 = vector.load %arg12[%swap3A_197, %swap3A_198] : memref<1x40xi32, #tpu.memory_space<vmem>>, vector<1x40xi32>
      tpu.vector_store %arg12[%swap3A_197, %swap3A_198], %convert_element_type3A_196 {strides = array<i32>} : memref<1x40xi32, #tpu.memory_space<vmem>>, vector<1x40xi32>,
      %lt3A_200 = vector.broadcast %reduce_sum3A_193 : f32 to vector<1x40xf32>
      %lt3A_201 = arith.cmpf olt, %mul3A_58, %lt3A_200 : vector<1x40xf32>
      %convert_element_type3A_202 = arith.extui %lt3A_201 : vector<1x40xi1> to vector<1x40xi32>
      %swap3A_203 = arith.constant 0 : index
      %swap3A_204 = arith.constant 0 : index
      %swap3A_205 = vector.load %arg13[%swap3A_203, %swap3A_204] : memref<1x40xi32, #tpu.memory_space<vmem>>, vector<1x40xi32>
      tpu.vector_store %arg13[%swap3A_203, %swap3A_204], %convert_element_type3A_202 {strides = array<i32>} : memref<1x40xi32, #tpu.memory_space<vmem>>, vector<1x40xi32>,
      %slice3A = vector.extract_strided_slice %min3A_195 {offsets = [0, 0], sizes = [1, 1], strides = [1, 1]} : vector<1x40xf32> to vector<1x1xf32>
      %slice3A_206 = vector.extract_strided_slice %min3A_195 {offsets = [0, 0], sizes = [1, 39], strides = [1, 1]} : vector<1x40xf32> to vector<1x39xf32>
      %concatenate3A = tpu.concatenate %slice3A, %slice3A_206 in 1 : vector<1x1xf32>, vector<1x39xf32> -> vector<1x40xf32>
      %ne3A = arith.cmpf one, %min3A_195, %concatenate3A : vector<1x40xf32>
      %convert_element_type3A_207 = arith.extui %ne3A : vector<1x40xi1> to vector<1x40xi32>
      %convert_element_type3A_208 = arith.sitofp %convert_element_type3A_207 : vector<1x40xi32> to vector<1x40xf32>
      %iota3A_209 = tpu.iota {dimensions = array<i32: 0>} : vector<40x40xi32>
      %iota3A_210 = tpu.iota {dimensions = array<i32: 1>} : vector<40x40xi32>
      %le3A = arith.cmpi sle, %iota3A_209, %iota3A_210 : vector<40x40xi32>
      %convert_element_type3A_211 = arith.extui %le3A : vector<40x40xi1> to vector<40x40xi32>
      %convert_element_type3A_212 = arith.sitofp %convert_element_type3A_211 : vector<40x40xi32> to vector<40x40xf32>
      %dot_general3A_213 = arith.constant dense<0.000000e+00> : vector<1x40xf32>
      %dot_general3A_214 = tpu.matmul %convert_element_type3A_208, %convert_element_type3A_212, %dot_general3A_213 {dimension_numbers = #tpu.dot_dimension_numbers<[1], [0], [0], [1], [0, 0, 1, 1], [], []>, transpose_lhs_hint = false} : vector<1x40xf32>, vector<40x40xf32>, vector<1x40xf32> -> vector<1x40xf32>
      %convert_element_type3A_215 = arith.fptosi %dot_general3A_214 : vector<1x40xf32> to vector<1x40xi32>
      %swap3A_216 = arith.constant 0 : index
      %swap3A_217 = arith.constant 0 : index
      %swap3A_218 = vector.load %arg14[%swap3A_216, %swap3A_217] : memref<1x40xi32, #tpu.memory_space<vmem>>, vector<1x40xi32>
      tpu.vector_store %arg14[%swap3A_216, %swap3A_217], %convert_element_type3A_215 {strides = array<i32>} : memref<1x40xi32, #tpu.memory_space<vmem>>, vector<1x40xi32>,
      %gt3A = arith.constant 0.000000e+00 : f32
      %gt3A_219 = vector.broadcast %gt3A : f32 to vector<1x8xf32>
      %gt3A_220 = arith.cmpf ogt, %mul3A_19, %gt3A_219 : vector<1x8xf32>
      %convert_element_type3A_221 = arith.extui %gt3A_220 : vector<1x8xi1> to vector<1x8xi32>
      %convert_element_type3A_222 = arith.sitofp %convert_element_type3A_221 : vector<1x8xi32> to vector<1x8xf32>
      %dot_general3A_223 = arith.constant dense<0.000000e+00> : vector<1x8xf32>
      %dot_general3A_224 = tpu.matmul %convert_element_type3A_222, %convert_element_type3A_23, %dot_general3A_223 {dimension_numbers = #tpu.dot_dimension_numbers<[1], [0], [0], [1], [0, 0, 1, 1], [], []>, transpose_lhs_hint = false} : vector<1x8xf32>, vector<8x8xf32>, vector<1x8xf32> -> vector<1x8xf32>
      %convert_element_type3A_225 = arith.sitofp %iota3A_59 : vector<1x8xi32> to vector<1x8xf32>
      %broadcast_in_dim3A_226 = arith.constant 0.000000e+00 : f32
      %broadcast_in_dim3A_227 = vector.broadcast %broadcast_in_dim3A_226 : f32 to vector<1x8xf32>
      %eq3A_228 = arith.constant 0 : i32
      %eq3A_229 = vector.broadcast %eq3A_228 : i32 to vector<1x8xi32>
      %eq3A_230 = arith.cmpi eq, %iota3A_59, %eq3A_229 : vector<1x8xi32>
      %jit3A_231 = arith.constant 0.000000e+00 : f32
      %broadcast_in_dim3A_232 = vector.broadcast %jit3A_231 : f32 to vector<1x8xf32>
      %select_n3A_233 = arith.select %eq3A_230, %dot_general3A_224, %broadcast_in_dim3A_232 : vector<1x8xi1>, vector<1x8xf32>
      %reduce_sum3A_234 = vector.shape_cast %select_n3A_233 : vector<1x8xf32> to vector<1x1x8xf32>
      %reduce_sum3A_235 = arith.constant dense<0.000000e+00> : vector<1xf32>
      %reduce_sum3A_236 = vector.multi_reduction <add>, %reduce_sum3A_234, %reduce_sum3A_235 [1, 2] : vector<1x1x8xf32> to vector<1xf32>
      %reduce_sum3A_237 = vector.shape_cast %reduce_sum3A_236 : vector<1xf32> to vector<1x1x1xf32>
      %reduce_sum3A_238 = vector.extract %reduce_sum3A_237[0, 0, 0] : f32 from vector<1x1x1xf32>
      %eq3A_239 = arith.constant 0 : i32
      %eq3A_240 = vector.broadcast %eq3A_239 : i32 to vector<1x8xi32>
      %eq3A_241 = arith.cmpi eq, %iota3A_59, %eq3A_240 : vector<1x8xi32>
      %jit3A_242 = arith.constant 0.000000e+00 : f32
      %broadcast_in_dim3A_243 = vector.broadcast %jit3A_242 : f32 to vector<1x8xf32>
      %select_n3A_244 = arith.select %eq3A_241, %convert_element_type3A_222, %broadcast_in_dim3A_243 : vector<1x8xi1>, vector<1x8xf32>
      %reduce_sum3A_245 = vector.shape_cast %select_n3A_244 : vector<1x8xf32> to vector<1x1x8xf32>
      %reduce_sum3A_246 = arith.constant dense<0.000000e+00> : vector<1xf32>
      %reduce_sum3A_247 = vector.multi_reduction <add>, %reduce_sum3A_245, %reduce_sum3A_246 [1, 2] : vector<1x1x8xf32> to vector<1xf32>
      %reduce_sum3A_248 = vector.shape_cast %reduce_sum3A_247 : vector<1xf32> to vector<1x1x1xf32>
      %reduce_sum3A_249 = vector.extract %reduce_sum3A_248[0, 0, 0] : f32 from vector<1x1x1xf32>
      %eq3A_250 = vector.broadcast %reduce_sum3A_238 : f32 to vector<1x8xf32>
      %eq3A_251 = arith.cmpf oeq, %convert_element_type3A_225, %eq3A_250 : vector<1x8xf32>
      %mul3A_252 = arith.constant 0.000000e+00 : f32
      %mul3A_253 = arith.mulf %reduce_sum3A_249, %mul3A_252 : f32
      %jit3A_254 = arith.constant 0.000000e+00 : f32
      %broadcast_in_dim3A_255 = vector.broadcast %mul3A_253 : f32 to vector<1x8xf32>
      %broadcast_in_dim3A_256 = vector.broadcast %jit3A_254 : f32 to vector<1x8xf32>
      %select_n3A_257 = arith.select %eq3A_251, %broadcast_in_dim3A_255, %broadcast_in_dim3A_256 : vector<1x8xi1>, vector<1x8xf32>
      %add3A_258 = arith.addf %broadcast_in_dim3A_227, %select_n3A_257 : vector<1x8xf32>
      %eq3A_259 = arith.constant 1 : i32
      %eq3A_260 = vector.broadcast %eq3A_259 : i32 to vector<1x8xi32>
      %eq3A_261 = arith.cmpi eq, %iota3A_59, %eq3A_260 : vector<1x8xi32>
      %jit3A_262 = arith.constant 0.000000e+00 : f32
      %broadcast_in_dim3A_263 = vector.broadcast %jit3A_262 : f32 to vector<1x8xf32>
      %select_n3A_264 = arith.select %eq3A_261, %dot_general3A_224, %broadcast_in_dim3A_263 : vector<1x8xi1>, vector<1x8xf32>
      %reduce_sum3A_265 = vector.shape_cast %select_n3A_264 : vector<1x8xf32> to vector<1x1x8xf32>
      %reduce_sum3A_266 = arith.constant dense<0.000000e+00> : vector<1xf32>
      %reduce_sum3A_267 = vector.multi_reduction <add>, %reduce_sum3A_265, %reduce_sum3A_266 [1, 2] : vector<1x1x8xf32> to vector<1xf32>
      %reduce_sum3A_268 = vector.shape_cast %reduce_sum3A_267 : vector<1xf32> to vector<1x1x1xf32>
      %reduce_sum3A_269 = vector.extract %reduce_sum3A_268[0, 0, 0] : f32 from vector<1x1x1xf32>
      %eq3A_270 = arith.constant 1 : i32
      %eq3A_271 = vector.broadcast %eq3A_270 : i32 to vector<1x8xi32>
      %eq3A_272 = arith.cmpi eq, %iota3A_59, %eq3A_271 : vector<1x8xi32>
      %jit3A_273 = arith.constant 0.000000e+00 : f32
      %broadcast_in_dim3A_274 = vector.broadcast %jit3A_273 : f32 to vector<1x8xf32>
      %select_n3A_275 = arith.select %eq3A_272, %convert_element_type3A_222, %broadcast_in_dim3A_274 : vector<1x8xi1>, vector<1x8xf32>
      %reduce_sum3A_276 = vector.shape_cast %select_n3A_275 : vector<1x8xf32> to vector<1x1x8xf32>
      %reduce_sum3A_277 = arith.constant dense<0.000000e+00> : vector<1xf32>
      %reduce_sum3A_278 = vector.multi_reduction <add>, %reduce_sum3A_276, %reduce_sum3A_277 [1, 2] : vector<1x1x8xf32> to vector<1xf32>
      %reduce_sum3A_279 = vector.shape_cast %reduce_sum3A_278 : vector<1xf32> to vector<1x1x1xf32>
      %reduce_sum3A_280 = vector.extract %reduce_sum3A_279[0, 0, 0] : f32 from vector<1x1x1xf32>
      %eq3A_281 = vector.broadcast %reduce_sum3A_269 : f32 to vector<1x8xf32>
      %eq3A_282 = arith.cmpf oeq, %convert_element_type3A_225, %eq3A_281 : vector<1x8xf32>
      %mul3A_283 = arith.constant 1.000000e+00 : f32
      %mul3A_284 = arith.mulf %reduce_sum3A_280, %mul3A_283 : f32
      %jit3A_285 = arith.constant 0.000000e+00 : f32
      %broadcast_in_dim3A_286 = vector.broadcast %mul3A_284 : f32 to vector<1x8xf32>
      %broadcast_in_dim3A_287 = vector.broadcast %jit3A_285 : f32 to vector<1x8xf32>
      %select_n3A_288 = arith.select %eq3A_282, %broadcast_in_dim3A_286, %broadcast_in_dim3A_287 : vector<1x8xi1>, vector<1x8xf32>
      %add3A_289 = arith.addf %add3A_258, %select_n3A_288 : vector<1x8xf32>
      %eq3A_290 = arith.constant 2 : i32
      %eq3A_291 = vector.broadcast %eq3A_290 : i32 to vector<1x8xi32>
      %eq3A_292 = arith.cmpi eq, %iota3A_59, %eq3A_291 : vector<1x8xi32>
      %jit3A_293 = arith.constant 0.000000e+00 : f32
      %broadcast_in_dim3A_294 = vector.broadcast %jit3A_293 : f32 to vector<1x8xf32>
      %select_n3A_295 = arith.select %eq3A_292, %dot_general3A_224, %broadcast_in_dim3A_294 : vector<1x8xi1>, vector<1x8xf32>
      %reduce_sum3A_296 = vector.shape_cast %select_n3A_295 : vector<1x8xf32> to vector<1x1x8xf32>
      %reduce_sum3A_297 = arith.constant dense<0.000000e+00> : vector<1xf32>
      %reduce_sum3A_298 = vector.multi_reduction <add>, %reduce_sum3A_296, %reduce_sum3A_297 [1, 2] : vector<1x1x8xf32> to vector<1xf32>
      %reduce_sum3A_299 = vector.shape_cast %reduce_sum3A_298 : vector<1xf32> to vector<1x1x1xf32>
      %reduce_sum3A_300 = vector.extract %reduce_sum3A_299[0, 0, 0] : f32 from vector<1x1x1xf32>
      %eq3A_301 = arith.constant 2 : i32
      %eq3A_302 = vector.broadcast %eq3A_301 : i32 to vector<1x8xi32>
      %eq3A_303 = arith.cmpi eq, %iota3A_59, %eq3A_302 : vector<1x8xi32>
      %jit3A_304 = arith.constant 0.000000e+00 : f32
      %broadcast_in_dim3A_305 = vector.broadcast %jit3A_304 : f32 to vector<1x8xf32>
      %select_n3A_306 = arith.select %eq3A_303, %convert_element_type3A_222, %broadcast_in_dim3A_305 : vector<1x8xi1>, vector<1x8xf32>
      %reduce_sum3A_307 = vector.shape_cast %select_n3A_306 : vector<1x8xf32> to vector<1x1x8xf32>
      %reduce_sum3A_308 = arith.constant dense<0.000000e+00> : vector<1xf32>
      %reduce_sum3A_309 = vector.multi_reduction <add>, %reduce_sum3A_307, %reduce_sum3A_308 [1, 2] : vector<1x1x8xf32> to vector<1xf32>
      %reduce_sum3A_310 = vector.shape_cast %reduce_sum3A_309 : vector<1xf32> to vector<1x1x1xf32>
      %reduce_sum3A_311 = vector.extract %reduce_sum3A_310[0, 0, 0] : f32 from vector<1x1x1xf32>
      %eq3A_312 = vector.broadcast %reduce_sum3A_300 : f32 to vector<1x8xf32>
      %eq3A_313 = arith.cmpf oeq, %convert_element_type3A_225, %eq3A_312 : vector<1x8xf32>
      %mul3A_314 = arith.constant 2.000000e+00 : f32
      %mul3A_315 = arith.mulf %reduce_sum3A_311, %mul3A_314 : f32
      %jit3A_316 = arith.constant 0.000000e+00 : f32
      %broadcast_in_dim3A_317 = vector.broadcast %mul3A_315 : f32 to vector<1x8xf32>
      %broadcast_in_dim3A_318 = vector.broadcast %jit3A_316 : f32 to vector<1x8xf32>
      %select_n3A_319 = arith.select %eq3A_313, %broadcast_in_dim3A_317, %broadcast_in_dim3A_318 : vector<1x8xi1>, vector<1x8xf32>
      %add3A_320 = arith.addf %add3A_289, %select_n3A_319 : vector<1x8xf32>
      %eq3A_321 = arith.constant 3 : i32
      %eq3A_322 = vector.broadcast %eq3A_321 : i32 to vector<1x8xi32>
      %eq3A_323 = arith.cmpi eq, %iota3A_59, %eq3A_322 : vector<1x8xi32>
      %jit3A_324 = arith.constant 0.000000e+00 : f32
      %broadcast_in_dim3A_325 = vector.broadcast %jit3A_324 : f32 to vector<1x8xf32>
      %select_n3A_326 = arith.select %eq3A_323, %dot_general3A_224, %broadcast_in_dim3A_325 : vector<1x8xi1>, vector<1x8xf32>
      %reduce_sum3A_327 = vector.shape_cast %select_n3A_326 : vector<1x8xf32> to vector<1x1x8xf32>
      %reduce_sum3A_328 = arith.constant dense<0.000000e+00> : vector<1xf32>
      %reduce_sum3A_329 = vector.multi_reduction <add>, %reduce_sum3A_327, %reduce_sum3A_328 [1, 2] : vector<1x1x8xf32> to vector<1xf32>
      %reduce_sum3A_330 = vector.shape_cast %reduce_sum3A_329 : vector<1xf32> to vector<1x1x1xf32>
      %reduce_sum3A_331 = vector.extract %reduce_sum3A_330[0, 0, 0] : f32 from vector<1x1x1xf32>
      %eq3A_332 = arith.constant 3 : i32
      %eq3A_333 = vector.broadcast %eq3A_332 : i32 to vector<1x8xi32>
      %eq3A_334 = arith.cmpi eq, %iota3A_59, %eq3A_333 : vector<1x8xi32>
      %jit3A_335 = arith.constant 0.000000e+00 : f32
      %broadcast_in_dim3A_336 = vector.broadcast %jit3A_335 : f32 to vector<1x8xf32>
      %select_n3A_337 = arith.select %eq3A_334, %convert_element_type3A_222, %broadcast_in_dim3A_336 : vector<1x8xi1>, vector<1x8xf32>
      %reduce_sum3A_338 = vector.shape_cast %select_n3A_337 : vector<1x8xf32> to vector<1x1x8xf32>
      %reduce_sum3A_339 = arith.constant dense<0.000000e+00> : vector<1xf32>
      %reduce_sum3A_340 = vector.multi_reduction <add>, %reduce_sum3A_338, %reduce_sum3A_339 [1, 2] : vector<1x1x8xf32> to vector<1xf32>
      %reduce_sum3A_341 = vector.shape_cast %reduce_sum3A_340 : vector<1xf32> to vector<1x1x1xf32>
      %reduce_sum3A_342 = vector.extract %reduce_sum3A_341[0, 0, 0] : f32 from vector<1x1x1xf32>
      %eq3A_343 = vector.broadcast %reduce_sum3A_331 : f32 to vector<1x8xf32>
      %eq3A_344 = arith.cmpf oeq, %convert_element_type3A_225, %eq3A_343 : vector<1x8xf32>
      %mul3A_345 = arith.constant 3.000000e+00 : f32
      %mul3A_346 = arith.mulf %reduce_sum3A_342, %mul3A_345 : f32
      %jit3A_347 = arith.constant 0.000000e+00 : f32
      %broadcast_in_dim3A_348 = vector.broadcast %mul3A_346 : f32 to vector<1x8xf32>
      %broadcast_in_dim3A_349 = vector.broadcast %jit3A_347 : f32 to vector<1x8xf32>
      %select_n3A_350 = arith.select %eq3A_344, %broadcast_in_dim3A_348, %broadcast_in_dim3A_349 : vector<1x8xi1>, vector<1x8xf32>
      %add3A_351 = arith.addf %add3A_320, %select_n3A_350 : vector<1x8xf32>
      %eq3A_352 = arith.constant 4 : i32
      %eq3A_353 = vector.broadcast %eq3A_352 : i32 to vector<1x8xi32>
      %eq3A_354 = arith.cmpi eq, %iota3A_59, %eq3A_353 : vector<1x8xi32>
      %jit3A_355 = arith.constant 0.000000e+00 : f32
      %broadcast_in_dim3A_356 = vector.broadcast %jit3A_355 : f32 to vector<1x8xf32>
      %select_n3A_357 = arith.select %eq3A_354, %dot_general3A_224, %broadcast_in_dim3A_356 : vector<1x8xi1>, vector<1x8xf32>
      %reduce_sum3A_358 = vector.shape_cast %select_n3A_357 : vector<1x8xf32> to vector<1x1x8xf32>
      %reduce_sum3A_359 = arith.constant dense<0.000000e+00> : vector<1xf32>
      %reduce_sum3A_360 = vector.multi_reduction <add>, %reduce_sum3A_358, %reduce_sum3A_359 [1, 2] : vector<1x1x8xf32> to vector<1xf32>
      %reduce_sum3A_361 = vector.shape_cast %reduce_sum3A_360 : vector<1xf32> to vector<1x1x1xf32>
      %reduce_sum3A_362 = vector.extract %reduce_sum3A_361[0, 0, 0] : f32 from vector<1x1x1xf32>
      %eq3A_363 = arith.constant 4 : i32
      %eq3A_364 = vector.broadcast %eq3A_363 : i32 to vector<1x8xi32>
      %eq3A_365 = arith.cmpi eq, %iota3A_59, %eq3A_364 : vector<1x8xi32>
      %jit3A_366 = arith.constant 0.000000e+00 : f32
      %broadcast_in_dim3A_367 = vector.broadcast %jit3A_366 : f32 to vector<1x8xf32>
      %select_n3A_368 = arith.select %eq3A_365, %convert_element_type3A_222, %broadcast_in_dim3A_367 : vector<1x8xi1>, vector<1x8xf32>
      %reduce_sum3A_369 = vector.shape_cast %select_n3A_368 : vector<1x8xf32> to vector<1x1x8xf32>
      %reduce_sum3A_370 = arith.constant dense<0.000000e+00> : vector<1xf32>
      %reduce_sum3A_371 = vector.multi_reduction <add>, %reduce_sum3A_369, %reduce_sum3A_370 [1, 2] : vector<1x1x8xf32> to vector<1xf32>
      %reduce_sum3A_372 = vector.shape_cast %reduce_sum3A_371 : vector<1xf32> to vector<1x1x1xf32>
      %reduce_sum3A_373 = vector.extract %reduce_sum3A_372[0, 0, 0] : f32 from vector<1x1x1xf32>
      %eq3A_374 = vector.broadcast %reduce_sum3A_362 : f32 to vector<1x8xf32>
      %eq3A_375 = arith.cmpf oeq, %convert_element_type3A_225, %eq3A_374 : vector<1x8xf32>
      %mul3A_376 = arith.constant 4.000000e+00 : f32
      %mul3A_377 = arith.mulf %reduce_sum3A_373, %mul3A_376 : f32
      %jit3A_378 = arith.constant 0.000000e+00 : f32
      %broadcast_in_dim3A_379 = vector.broadcast %mul3A_377 : f32 to vector<1x8xf32>
      %broadcast_in_dim3A_380 = vector.broadcast %jit3A_378 : f32 to vector<1x8xf32>
      %select_n3A_381 = arith.select %eq3A_375, %broadcast_in_dim3A_379, %broadcast_in_dim3A_380 : vector<1x8xi1>, vector<1x8xf32>
      %add3A_382 = arith.addf %add3A_351, %select_n3A_381 : vector<1x8xf32>
      %eq3A_383 = arith.constant 5 : i32
      %eq3A_384 = vector.broadcast %eq3A_383 : i32 to vector<1x8xi32>
      %eq3A_385 = arith.cmpi eq, %iota3A_59, %eq3A_384 : vector<1x8xi32>
      %jit3A_386 = arith.constant 0.000000e+00 : f32
      %broadcast_in_dim3A_387 = vector.broadcast %jit3A_386 : f32 to vector<1x8xf32>
      %select_n3A_388 = arith.select %eq3A_385, %dot_general3A_224, %broadcast_in_dim3A_387 : vector<1x8xi1>, vector<1x8xf32>
      %reduce_sum3A_389 = vector.shape_cast %select_n3A_388 : vector<1x8xf32> to vector<1x1x8xf32>
      %reduce_sum3A_390 = arith.constant dense<0.000000e+00> : vector<1xf32>
      %reduce_sum3A_391 = vector.multi_reduction <add>, %reduce_sum3A_389, %reduce_sum3A_390 [1, 2] : vector<1x1x8xf32> to vector<1xf32>
      %reduce_sum3A_392 = vector.shape_cast %reduce_sum3A_391 : vector<1xf32> to vector<1x1x1xf32>
      %reduce_sum3A_393 = vector.extract %reduce_sum3A_392[0, 0, 0] : f32 from vector<1x1x1xf32>
      %eq3A_394 = arith.constant 5 : i32
      %eq3A_395 = vector.broadcast %eq3A_394 : i32 to vector<1x8xi32>
      %eq3A_396 = arith.cmpi eq, %iota3A_59, %eq3A_395 : vector<1x8xi32>
      %jit3A_397 = arith.constant 0.000000e+00 : f32
      %broadcast_in_dim3A_398 = vector.broadcast %jit3A_397 : f32 to vector<1x8xf32>
      %select_n3A_399 = arith.select %eq3A_396, %convert_element_type3A_222, %broadcast_in_dim3A_398 : vector<1x8xi1>, vector<1x8xf32>
      %reduce_sum3A_400 = vector.shape_cast %select_n3A_399 : vector<1x8xf32> to vector<1x1x8xf32>
      %reduce_sum3A_401 = arith.constant dense<0.000000e+00> : vector<1xf32>
      %reduce_sum3A_402 = vector.multi_reduction <add>, %reduce_sum3A_400, %reduce_sum3A_401 [1, 2] : vector<1x1x8xf32> to vector<1xf32>
      %reduce_sum3A_403 = vector.shape_cast %reduce_sum3A_402 : vector<1xf32> to vector<1x1x1xf32>
      %reduce_sum3A_404 = vector.extract %reduce_sum3A_403[0, 0, 0] : f32 from vector<1x1x1xf32>
      %eq3A_405 = vector.broadcast %reduce_sum3A_393 : f32 to vector<1x8xf32>
      %eq3A_406 = arith.cmpf oeq, %convert_element_type3A_225, %eq3A_405 : vector<1x8xf32>
      %mul3A_407 = arith.constant 5.000000e+00 : f32
      %mul3A_408 = arith.mulf %reduce_sum3A_404, %mul3A_407 : f32
      %jit3A_409 = arith.constant 0.000000e+00 : f32
      %broadcast_in_dim3A_410 = vector.broadcast %mul3A_408 : f32 to vector<1x8xf32>
      %broadcast_in_dim3A_411 = vector.broadcast %jit3A_409 : f32 to vector<1x8xf32>
      %select_n3A_412 = arith.select %eq3A_406, %broadcast_in_dim3A_410, %broadcast_in_dim3A_411 : vector<1x8xi1>, vector<1x8xf32>
      %add3A_413 = arith.addf %add3A_382, %select_n3A_412 : vector<1x8xf32>
      %eq3A_414 = arith.constant 6 : i32
      %eq3A_415 = vector.broadcast %eq3A_414 : i32 to vector<1x8xi32>
      %eq3A_416 = arith.cmpi eq, %iota3A_59, %eq3A_415 : vector<1x8xi32>
      %jit3A_417 = arith.constant 0.000000e+00 : f32
      %broadcast_in_dim3A_418 = vector.broadcast %jit3A_417 : f32 to vector<1x8xf32>
      %select_n3A_419 = arith.select %eq3A_416, %dot_general3A_224, %broadcast_in_dim3A_418 : vector<1x8xi1>, vector<1x8xf32>
      %reduce_sum3A_420 = vector.shape_cast %select_n3A_419 : vector<1x8xf32> to vector<1x1x8xf32>
      %reduce_sum3A_421 = arith.constant dense<0.000000e+00> : vector<1xf32>
      %reduce_sum3A_422 = vector.multi_reduction <add>, %reduce_sum3A_420, %reduce_sum3A_421 [1, 2] : vector<1x1x8xf32> to vector<1xf32>
      %reduce_sum3A_423 = vector.shape_cast %reduce_sum3A_422 : vector<1xf32> to vector<1x1x1xf32>
      %reduce_sum3A_424 = vector.extract %reduce_sum3A_423[0, 0, 0] : f32 from vector<1x1x1xf32>
      %eq3A_425 = arith.constant 6 : i32
      %eq3A_426 = vector.broadcast %eq3A_425 : i32 to vector<1x8xi32>
      %eq3A_427 = arith.cmpi eq, %iota3A_59, %eq3A_426 : vector<1x8xi32>
      %jit3A_428 = arith.constant 0.000000e+00 : f32
      %broadcast_in_dim3A_429 = vector.broadcast %jit3A_428 : f32 to vector<1x8xf32>
      %select_n3A_430 = arith.select %eq3A_427, %convert_element_type3A_222, %broadcast_in_dim3A_429 : vector<1x8xi1>, vector<1x8xf32>
      %reduce_sum3A_431 = vector.shape_cast %select_n3A_430 : vector<1x8xf32> to vector<1x1x8xf32>
      %reduce_sum3A_432 = arith.constant dense<0.000000e+00> : vector<1xf32>
      %reduce_sum3A_433 = vector.multi_reduction <add>, %reduce_sum3A_431, %reduce_sum3A_432 [1, 2] : vector<1x1x8xf32> to vector<1xf32>
      %reduce_sum3A_434 = vector.shape_cast %reduce_sum3A_433 : vector<1xf32> to vector<1x1x1xf32>
      %reduce_sum3A_435 = vector.extract %reduce_sum3A_434[0, 0, 0] : f32 from vector<1x1x1xf32>
      %eq3A_436 = vector.broadcast %reduce_sum3A_424 : f32 to vector<1x8xf32>
      %eq3A_437 = arith.cmpf oeq, %convert_element_type3A_225, %eq3A_436 : vector<1x8xf32>
      %mul3A_438 = arith.constant 6.000000e+00 : f32
      %mul3A_439 = arith.mulf %reduce_sum3A_435, %mul3A_438 : f32
      %jit3A_440 = arith.constant 0.000000e+00 : f32
      %broadcast_in_dim3A_441 = vector.broadcast %mul3A_439 : f32 to vector<1x8xf32>
      %broadcast_in_dim3A_442 = vector.broadcast %jit3A_440 : f32 to vector<1x8xf32>
      %select_n3A_443 = arith.select %eq3A_437, %broadcast_in_dim3A_441, %broadcast_in_dim3A_442 : vector<1x8xi1>, vector<1x8xf32>
      %add3A_444 = arith.addf %add3A_413, %select_n3A_443 : vector<1x8xf32>
      %eq3A_445 = arith.constant 7 : i32
      %eq3A_446 = vector.broadcast %eq3A_445 : i32 to vector<1x8xi32>
      %eq3A_447 = arith.cmpi eq, %iota3A_59, %eq3A_446 : vector<1x8xi32>
      %jit3A_448 = arith.constant 0.000000e+00 : f32
      %broadcast_in_dim3A_449 = vector.broadcast %jit3A_448 : f32 to vector<1x8xf32>
      %select_n3A_450 = arith.select %eq3A_447, %dot_general3A_224, %broadcast_in_dim3A_449 : vector<1x8xi1>, vector<1x8xf32>
      %reduce_sum3A_451 = vector.shape_cast %select_n3A_450 : vector<1x8xf32> to vector<1x1x8xf32>
      %reduce_sum3A_452 = arith.constant dense<0.000000e+00> : vector<1xf32>
      %reduce_sum3A_453 = vector.multi_reduction <add>, %reduce_sum3A_451, %reduce_sum3A_452 [1, 2] : vector<1x1x8xf32> to vector<1xf32>
      %reduce_sum3A_454 = vector.shape_cast %reduce_sum3A_453 : vector<1xf32> to vector<1x1x1xf32>
      %reduce_sum3A_455 = vector.extract %reduce_sum3A_454[0, 0, 0] : f32 from vector<1x1x1xf32>
      %eq3A_456 = arith.constant 7 : i32
      %eq3A_457 = vector.broadcast %eq3A_456 : i32 to vector<1x8xi32>
      %eq3A_458 = arith.cmpi eq, %iota3A_59, %eq3A_457 : vector<1x8xi32>
      %jit3A_459 = arith.constant 0.000000e+00 : f32
      %broadcast_in_dim3A_460 = vector.broadcast %jit3A_459 : f32 to vector<1x8xf32>
      %select_n3A_461 = arith.select %eq3A_458, %convert_element_type3A_222, %broadcast_in_dim3A_460 : vector<1x8xi1>, vector<1x8xf32>
      %reduce_sum3A_462 = vector.shape_cast %select_n3A_461 : vector<1x8xf32> to vector<1x1x8xf32>
      %reduce_sum3A_463 = arith.constant dense<0.000000e+00> : vector<1xf32>
      %reduce_sum3A_464 = vector.multi_reduction <add>, %reduce_sum3A_462, %reduce_sum3A_463 [1, 2] : vector<1x1x8xf32> to vector<1xf32>
      %reduce_sum3A_465 = vector.shape_cast %reduce_sum3A_464 : vector<1xf32> to vector<1x1x1xf32>
      %reduce_sum3A_466 = vector.extract %reduce_sum3A_465[0, 0, 0] : f32 from vector<1x1x1xf32>
      %eq3A_467 = vector.broadcast %reduce_sum3A_455 : f32 to vector<1x8xf32>
      %eq3A_468 = arith.cmpf oeq, %convert_element_type3A_225, %eq3A_467 : vector<1x8xf32>
      %mul3A_469 = arith.constant 7.000000e+00 : f32
      %mul3A_470 = arith.mulf %reduce_sum3A_466, %mul3A_469 : f32
      %jit3A_471 = arith.constant 0.000000e+00 : f32
      %broadcast_in_dim3A_472 = vector.broadcast %mul3A_470 : f32 to vector<1x8xf32>
      %broadcast_in_dim3A_473 = vector.broadcast %jit3A_471 : f32 to vector<1x8xf32>
      %select_n3A_474 = arith.select %eq3A_468, %broadcast_in_dim3A_472, %broadcast_in_dim3A_473 : vector<1x8xi1>, vector<1x8xf32>
      %add3A_475 = arith.addf %add3A_444, %select_n3A_474 : vector<1x8xf32>
      %convert_element_type3A_476 = arith.fptosi %add3A_475 : vector<1x8xf32> to vector<1x8xi32>
      %swap3A_477 = arith.constant 0 : index
      %swap3A_478 = arith.constant 0 : index
      %swap3A_479 = vector.load %arg15[%swap3A_477, %swap3A_478] : memref<1x8xi32, #tpu.memory_space<vmem>>, vector<1x8xi32>
      tpu.vector_store %arg15[%swap3A_477, %swap3A_478], %convert_element_type3A_476 {strides = array<i32>} : memref<1x8xi32, #tpu.memory_space<vmem>>, vector<1x8xi32>,
      %reduce_sum3A_480 = vector.shape_cast %convert_element_type3A_222 : vector<1x8xf32> to vector<1x1x8xf32>
      %reduce_sum3A_481 = arith.constant dense<0.000000e+00> : vector<1xf32>
      %reduce_sum3A_482 = vector.multi_reduction <add>, %reduce_sum3A_480, %reduce_sum3A_481 [1, 2] : vector<1x1x8xf32> to vector<1xf32>
      %reduce_sum3A_483 = vector.shape_cast %reduce_sum3A_482 : vector<1xf32> to vector<1x1x1xf32>
      %reduce_sum3A_484 = vector.extract %reduce_sum3A_483[0, 0, 0] : f32 from vector<1x1x1xf32>
      %reshape3A = vector.broadcast %reduce_sum3A_484 : f32 to vector<1x1xf32>
      %convert_element_type3A_485 = arith.fptosi %reshape3A : vector<1x1xf32> to vector<1x1xi32>
      %swap3A_486 = arith.constant 0 : index
      %swap3A_487 = arith.constant 0 : index
      %swap3A_488 = vector.load %arg16[%swap3A_486, %swap3A_487] : memref<1x1xi32, #tpu.memory_space<vmem>>, vector<1x1xi32>
      tpu.vector_store %arg16[%swap3A_486, %swap3A_487], %convert_element_type3A_485 {strides = array<i32>} : memref<1x1xi32, #tpu.memory_space<vmem>>, vector<1x1xi32>,
    } else {
    }
    return
  }
  func.func @transform_0(%arg0: i32) -> i32 {
    %c0_i32 = arith.constant 0 : i32
    %c0_i32_0 = arith.constant 0 : i32
    return %c0_i32 : i32
  }
  func.func @transform_1(%arg0: i32) -> (i32, i32) {
    %min3A = arith.constant 3 : i32
    %min3A_0 = arith.minsi %arg0, %min3A : i32
    %c0_i32 = arith.constant 0 : i32
    %c0_i32_1 = arith.constant 0 : i32
    return %min3A_0, %c0_i32 : i32, i32
  }
  func.func @transform_2(%arg0: i32) -> (i32, i32) {
    %c0_i32 = arith.constant 0 : i32
    %c0_i32_0 = arith.constant 0 : i32
    %c0_i32_1 = arith.constant 0 : i32
    return %c0_i32, %c0_i32_0 : i32, i32
  }
  func.func @transform_3(%arg0: i32) -> (i32, i32) {
    %c0_i32 = arith.constant 0 : i32
    %c0_i32_0 = arith.constant 0 : i32
    %c0_i32_1 = arith.constant 0 : i32
    return %c0_i32, %c0_i32_0 : i32, i32
  }
  func.func @transform_4(%arg0: i32) -> (i32, i32) {
    %c0_i32 = arith.constant 0 : i32
    %c0_i32_0 = arith.constant 0 : i32
    %c0_i32_1 = arith.constant 0 : i32
    return %c0_i32, %c0_i32_0 : i32, i32
  }
  func.func @transform_5(%arg0: i32) -> (i32, i32) {
    %c0_i32 = arith.constant 0 : i32
    %c0_i32_0 = arith.constant 0 : i32
    %c0_i32_1 = arith.constant 0 : i32
    return %c0_i32, %c0_i32_0 : i32, i32
  }
  func.func @transform_6(%arg0: i32) -> (i32, i32) {
    %min3A = arith.constant 3 : i32
    %min3A_0 = arith.minsi %arg0, %min3A : i32
    %c0_i32 = arith.constant 0 : i32
    %c0_i32_1 = arith.constant 0 : i32
    return %min3A_0, %c0_i32 : i32, i32
  }
  func.func @transform_7(%arg0: i32) -> (i32, i32) {
    %min3A = arith.constant 3 : i32
    %min3A_0 = arith.minsi %arg0, %min3A : i32
    %c0_i32 = arith.constant 0 : i32
    %c0_i32_1 = arith.constant 0 : i32
    return %min3A_0, %c0_i32 : i32, i32
  }
  func.func @transform_8(%arg0: i32) -> (i32, i32) {
    %min3A = arith.constant 3 : i32
    %min3A_0 = arith.minsi %arg0, %min3A : i32
    %c0_i32 = arith.constant 0 : i32
    %c0_i32_1 = arith.constant 0 : i32
    return %min3A_0, %c0_i32 : i32, i32
  }
  func.func @transform_9(%arg0: i32) -> (i32, i32) {
    %c0_i32 = arith.constant 0 : i32
    %c0_i32_0 = arith.constant 0 : i32
    %c0_i32_1 = arith.constant 0 : i32
    return %c0_i32, %c0_i32_0 : i32, i32
  }
  func.func @transform_10(%arg0: i32) -> (i32, i32) {
    %c0_i32 = arith.constant 0 : i32
    %c0_i32_0 = arith.constant 0 : i32
    %c0_i32_1 = arith.constant 0 : i32
    return %c0_i32, %c0_i32_0 : i32, i32
  }
  func.func @transform_11(%arg0: i32) -> (i32, i32) {
    %c0_i32 = arith.constant 0 : i32
    %c0_i32_0 = arith.constant 0 : i32
    %c0_i32_1 = arith.constant 0 : i32
    return %c0_i32, %c0_i32_0 : i32, i32
  }
  func.func @transform_12(%arg0: i32) -> (i32, i32) {
    %c0_i32 = arith.constant 0 : i32
    %c0_i32_0 = arith.constant 0 : i32
    %c0_i32_1 = arith.constant 0 : i32
    return %c0_i32, %c0_i32_0 : i32, i32
  }
  func.func @transform_13(%arg0: i32) -> (i32, i32) {
    %c0_i32 = arith.constant 0 : i32
    %c0_i32_0 = arith.constant 0 : i32
    %c0_i32_1 = arith.constant 0 : i32
    return %c0_i32, %c0_i32_0 : i32, i32
  }
  func.func @transform_14(%arg0: i32) -> (i32, i32) {
    %c0_i32 = arith.constant 0 : i32
    %c0_i32_0 = arith.constant 0 : i32
    %c0_i32_1 = arith.constant 0 : i32
    return %c0_i32, %c0_i32_0 : i32, i32
  }
  func.func @transform_15(%arg0: i32) -> (i32, i32) {
    %c0_i32 = arith.constant 0 : i32
    %c0_i32_0 = arith.constant 0 : i32
    %c0_i32_1 = arith.constant 0 : i32
    return %c0_i32, %c0_i32_0 : i32, i32
  }
}

module attributes {stable_mosaic.version = 14 : i64} {
  func.func @_experts_kernel(%arg0: i32, %arg1: memref<1x40xi32, #tpu.memory_space<smem>>, %arg2: memref<1x40xi32, #tpu.memory_space<smem>>, %arg3: memref<1x40xi32, #tpu.memory_space<smem>>, %arg4: memref<1x8xi32, #tpu.memory_space<smem>>, %arg5: memref<1x1xi32, #tpu.memory_space<smem>>, %arg6: memref<128x1024xf32, #tpu.memory_space<vmem>>, %arg7: memref<8x1024x1024xf32, #tpu.memory_space<any>>, %arg8: memref<1x1x1024xf32, #tpu.memory_space<vmem>>, %arg9: memref<8x1024x1024xf32, #tpu.memory_space<any>>, %arg10: memref<1x1x1024xf32, #tpu.memory_space<vmem>>, %arg11: memref<128x1024xf32, #tpu.memory_space<vmem>>, %arg12: memref<2x1024x1024xf32, #tpu.memory_space<vmem>>, %arg13: memref<2x1024x1024xf32, #tpu.memory_space<vmem>>, %arg14: memref<2x!tpu.dma_semaphore, #tpu.memory_space<semaphore_mem>>, %arg15: memref<2x!tpu.dma_semaphore, #tpu.memory_space<semaphore_mem>>) attributes {dimension_semantics = [#tpu.dimension_semantics<arbitrary>], iteration_bounds = array<i64: 40>, scalar_prefetch = 5 : i64, scratch_operands = 4 : i64, tpu.core_type = #tpu.core_type<tc>, window_params = [{transform_indices = @transform_0, window_bounds = array<i64: 128, 1024>}, {}, {transform_indices = @transform_2, window_bounds = array<i64: 1, 1, 1024>}, {}, {transform_indices = @transform_4, window_bounds = array<i64: 1, 1, 1024>}, {transform_indices = @transform_5, window_bounds = array<i64: 128, 1024>}]} {
    %get3A = arith.constant 0 : index
    %get3A_0 = arith.index_cast %arg0 : i32 to index
    %get3A_1 = memref.load %arg3[%get3A, %get3A_0] : memref<1x40xi32, #tpu.memory_space<smem>>
    %rem3A = arith.constant 2 : i32
    %rem3A_2 = arith.remsi %get3A_1, %rem3A : i32
    %sub3A = arith.constant 1 : i32
    %sub3A_3 = arith.subi %arg0, %sub3A : i32
    %max3A = arith.constant 0 : i32
    %max3A_4 = arith.maxsi %sub3A_3, %max3A : i32
    %get3A_5 = arith.constant 0 : index
    %get3A_6 = arith.index_cast %max3A_4 : i32 to index
    %get3A_7 = memref.load %arg3[%get3A_5, %get3A_6] : memref<1x40xi32, #tpu.memory_space<smem>>
    %eq3A = arith.constant 0 : i32
    %eq3A_8 = arith.cmpi eq, %arg0, %eq3A : i32
    %ne3A = arith.cmpi ne, %get3A_1, %get3A_7 : i32
    %or3A = arith.ori %eq3A_8, %ne3A : i1
    %get3A_9 = arith.constant 0 : index
    %get3A_10 = arith.constant 0 : index
    %get3A_11 = memref.load %arg5[%get3A_9, %get3A_10] : memref<1x1xi32, #tpu.memory_space<smem>>
    %eq3A_12 = arith.constant 0 : i32
    %eq3A_13 = arith.cmpi eq, %arg0, %eq3A_12 : i32
    %convert_element_type3A = arith.extui %eq3A_13 : i1 to i32
    %cond3A = arith.constant 0 : i32
    %cond3A_14 = arith.cmpi ne, %convert_element_type3A, %cond3A : i32
    scf.if %cond3A_14 {
      %get3A_48 = arith.constant 0 : index
      %get3A_49 = arith.constant 0 : index
      %get3A_50 = memref.load %arg4[%get3A_48, %get3A_49] : memref<1x8xi32, #tpu.memory_space<smem>>
      %dma_start3A = arith.constant 0 : i32
      %dma_start3A_51 = tpu.memref_slice %arg14[%dma_start3A] : memref<2x!tpu.dma_semaphore, #tpu.memory_space<semaphore_mem>> -> memref<1x!tpu.dma_semaphore, #tpu.memory_space<semaphore_mem>>
      %dma_start3A_52 = tpu.memref_squeeze %dma_start3A_51 : memref<1x!tpu.dma_semaphore, #tpu.memory_space<semaphore_mem>> -> memref<!tpu.dma_semaphore, #tpu.memory_space<semaphore_mem>>
      %dma_start3A_53 = arith.constant 0 : i32
      %dma_start3A_54 = arith.constant 0 : i32
      %dma_start3A_55 = arith.constant 0 : i32
      %dma_start3A_56 = tpu.memref_slice %arg12[%dma_start3A_53, %dma_start3A_54, %dma_start3A_55] : memref<2x1024x1024xf32, #tpu.memory_space<vmem>> -> memref<1x1024x1024xf32, #tpu.memory_space<vmem>>
      %dma_start3A_57 = arith.constant 0 : i32
      %dma_start3A_58 = arith.constant 0 : i32
      %dma_start3A_59 = tpu.memref_slice %arg7[%get3A_50, %dma_start3A_57, %dma_start3A_58] : memref<8x1024x1024xf32, #tpu.memory_space<any>> -> memref<1x1024x1024xf32, #tpu.memory_space<any>>
      tpu.enqueue_dma source(%dma_start3A_59 : memref<1x1024x1024xf32, #tpu.memory_space<any>>) target(%dma_start3A_56 : memref<1x1024x1024xf32, #tpu.memory_space<vmem>>) target_semaphore(%dma_start3A_52 : memref<!tpu.dma_semaphore, #tpu.memory_space<semaphore_mem>>)
      %dma_start3A_60 = arith.constant 0 : i32
      %dma_start3A_61 = tpu.memref_slice %arg15[%dma_start3A_60] : memref<2x!tpu.dma_semaphore, #tpu.memory_space<semaphore_mem>> -> memref<1x!tpu.dma_semaphore, #tpu.memory_space<semaphore_mem>>
      %dma_start3A_62 = tpu.memref_squeeze %dma_start3A_61 : memref<1x!tpu.dma_semaphore, #tpu.memory_space<semaphore_mem>> -> memref<!tpu.dma_semaphore, #tpu.memory_space<semaphore_mem>>
      %dma_start3A_63 = arith.constant 0 : i32
      %dma_start3A_64 = arith.constant 0 : i32
      %dma_start3A_65 = arith.constant 0 : i32
      %dma_start3A_66 = tpu.memref_slice %arg13[%dma_start3A_63, %dma_start3A_64, %dma_start3A_65] : memref<2x1024x1024xf32, #tpu.memory_space<vmem>> -> memref<1x1024x1024xf32, #tpu.memory_space<vmem>>
      %dma_start3A_67 = arith.constant 0 : i32
      %dma_start3A_68 = arith.constant 0 : i32
      %dma_start3A_69 = tpu.memref_slice %arg9[%get3A_50, %dma_start3A_67, %dma_start3A_68] : memref<8x1024x1024xf32, #tpu.memory_space<any>> -> memref<1x1024x1024xf32, #tpu.memory_space<any>>
      tpu.enqueue_dma source(%dma_start3A_69 : memref<1x1024x1024xf32, #tpu.memory_space<any>>) target(%dma_start3A_66 : memref<1x1024x1024xf32, #tpu.memory_space<vmem>>) target_semaphore(%dma_start3A_62 : memref<!tpu.dma_semaphore, #tpu.memory_space<semaphore_mem>>)
    } else {
    }
    %eq3A_15 = arith.constant 0 : i32
    %eq3A_16 = arith.cmpi eq, %rem3A_2, %eq3A_15 : i32
    %and3A = arith.andi %or3A, %eq3A_16 : i1
    %convert_element_type3A_17 = arith.extui %and3A : i1 to i32
    %cond3A_18 = arith.constant 0 : i32
    %cond3A_19 = arith.cmpi ne, %convert_element_type3A_17, %cond3A_18 : i32
    scf.if %cond3A_19 {
      %get3A_48 = arith.constant 0 : index
      %get3A_49 = arith.index_cast %get3A_1 : i32 to index
      %get3A_50 = memref.load %arg4[%get3A_48, %get3A_49] : memref<1x8xi32, #tpu.memory_space<smem>>
      %dma_wait3A = arith.constant 0 : i32
      %dma_wait3A_51 = tpu.memref_slice %arg14[%dma_wait3A] : memref<2x!tpu.dma_semaphore, #tpu.memory_space<semaphore_mem>> -> memref<1x!tpu.dma_semaphore, #tpu.memory_space<semaphore_mem>>
      %dma_wait3A_52 = tpu.memref_squeeze %dma_wait3A_51 : memref<1x!tpu.dma_semaphore, #tpu.memory_space<semaphore_mem>> -> memref<!tpu.dma_semaphore, #tpu.memory_space<semaphore_mem>>
      %dma_wait3A_53 = arith.constant 0 : i32
      %dma_wait3A_54 = arith.constant 0 : i32
      %dma_wait3A_55 = arith.constant 0 : i32
      %dma_wait3A_56 = tpu.memref_slice %arg12[%dma_wait3A_53, %dma_wait3A_54, %dma_wait3A_55] : memref<2x1024x1024xf32, #tpu.memory_space<vmem>> -> memref<1x1024x1024xf32, #tpu.memory_space<vmem>>
      %dma_wait3A_57 = arith.constant 0 : i32
      %dma_wait3A_58 = arith.constant 0 : i32
      %dma_wait3A_59 = tpu.memref_slice %arg7[%get3A_50, %dma_wait3A_57, %dma_wait3A_58] : memref<8x1024x1024xf32, #tpu.memory_space<any>> -> memref<1x1024x1024xf32, #tpu.memory_space<any>>
      tpu.wait_dma2 semaphore(%dma_wait3A_52 : memref<!tpu.dma_semaphore, #tpu.memory_space<semaphore_mem>>) src(%dma_wait3A_59 : memref<1x1024x1024xf32, #tpu.memory_space<any>>) dst(%dma_wait3A_56 : memref<1x1024x1024xf32, #tpu.memory_space<vmem>>)
      %dma_wait3A_60 = arith.constant 0 : i32
      %dma_wait3A_61 = tpu.memref_slice %arg15[%dma_wait3A_60] : memref<2x!tpu.dma_semaphore, #tpu.memory_space<semaphore_mem>> -> memref<1x!tpu.dma_semaphore, #tpu.memory_space<semaphore_mem>>
      %dma_wait3A_62 = tpu.memref_squeeze %dma_wait3A_61 : memref<1x!tpu.dma_semaphore, #tpu.memory_space<semaphore_mem>> -> memref<!tpu.dma_semaphore, #tpu.memory_space<semaphore_mem>>
      %dma_wait3A_63 = arith.constant 0 : i32
      %dma_wait3A_64 = arith.constant 0 : i32
      %dma_wait3A_65 = arith.constant 0 : i32
      %dma_wait3A_66 = tpu.memref_slice %arg13[%dma_wait3A_63, %dma_wait3A_64, %dma_wait3A_65] : memref<2x1024x1024xf32, #tpu.memory_space<vmem>> -> memref<1x1024x1024xf32, #tpu.memory_space<vmem>>
      %dma_wait3A_67 = arith.constant 0 : i32
      %dma_wait3A_68 = arith.constant 0 : i32
      %dma_wait3A_69 = tpu.memref_slice %arg9[%get3A_50, %dma_wait3A_67, %dma_wait3A_68] : memref<8x1024x1024xf32, #tpu.memory_space<any>> -> memref<1x1024x1024xf32, #tpu.memory_space<any>>
      tpu.wait_dma2 semaphore(%dma_wait3A_62 : memref<!tpu.dma_semaphore, #tpu.memory_space<semaphore_mem>>) src(%dma_wait3A_69 : memref<1x1024x1024xf32, #tpu.memory_space<any>>) dst(%dma_wait3A_66 : memref<1x1024x1024xf32, #tpu.memory_space<vmem>>)
      %add3A = arith.constant 1 : i32
      %add3A_70 = arith.addi %get3A_1, %add3A : i32
      %lt3A = arith.cmpi slt, %add3A_70, %get3A_11 : i32
      %convert_element_type3A_71 = arith.extui %lt3A : i1 to i32
      %cond3A_72 = arith.constant 0 : i32
      %cond3A_73 = arith.cmpi ne, %convert_element_type3A_71, %cond3A_72 : i32
      scf.if %cond3A_73 {
        %add3A_74 = arith.constant 1 : i32
        %add3A_75 = arith.addi %get3A_1, %add3A_74 : i32
        %get3A_76 = arith.constant 0 : index
        %get3A_77 = arith.index_cast %add3A_75 : i32 to index
        %get3A_78 = memref.load %arg4[%get3A_76, %get3A_77] : memref<1x8xi32, #tpu.memory_space<smem>>
        %dma_start3A = arith.constant 1 : i32
        %dma_start3A_79 = tpu.memref_slice %arg14[%dma_start3A] : memref<2x!tpu.dma_semaphore, #tpu.memory_space<semaphore_mem>> -> memref<1x!tpu.dma_semaphore, #tpu.memory_space<semaphore_mem>>
        %dma_start3A_80 = tpu.memref_squeeze %dma_start3A_79 : memref<1x!tpu.dma_semaphore, #tpu.memory_space<semaphore_mem>> -> memref<!tpu.dma_semaphore, #tpu.memory_space<semaphore_mem>>
        %dma_start3A_81 = arith.constant 1 : i32
        %dma_start3A_82 = arith.constant 0 : i32
        %dma_start3A_83 = arith.constant 0 : i32
        %dma_start3A_84 = tpu.memref_slice %arg12[%dma_start3A_81, %dma_start3A_82, %dma_start3A_83] : memref<2x1024x1024xf32, #tpu.memory_space<vmem>> -> memref<1x1024x1024xf32, #tpu.memory_space<vmem>>
        %dma_start3A_85 = arith.constant 0 : i32
        %dma_start3A_86 = arith.constant 0 : i32
        %dma_start3A_87 = tpu.memref_slice %arg7[%get3A_78, %dma_start3A_85, %dma_start3A_86] : memref<8x1024x1024xf32, #tpu.memory_space<any>> -> memref<1x1024x1024xf32, #tpu.memory_space<any>>
        tpu.enqueue_dma source(%dma_start3A_87 : memref<1x1024x1024xf32, #tpu.memory_space<any>>) target(%dma_start3A_84 : memref<1x1024x1024xf32, #tpu.memory_space<vmem>>) target_semaphore(%dma_start3A_80 : memref<!tpu.dma_semaphore, #tpu.memory_space<semaphore_mem>>)
        %dma_start3A_88 = arith.constant 1 : i32
        %dma_start3A_89 = tpu.memref_slice %arg15[%dma_start3A_88] : memref<2x!tpu.dma_semaphore, #tpu.memory_space<semaphore_mem>> -> memref<1x!tpu.dma_semaphore, #tpu.memory_space<semaphore_mem>>
        %dma_start3A_90 = tpu.memref_squeeze %dma_start3A_89 : memref<1x!tpu.dma_semaphore, #tpu.memory_space<semaphore_mem>> -> memref<!tpu.dma_semaphore, #tpu.memory_space<semaphore_mem>>
        %dma_start3A_91 = arith.constant 1 : i32
        %dma_start3A_92 = arith.constant 0 : i32
        %dma_start3A_93 = arith.constant 0 : i32
        %dma_start3A_94 = tpu.memref_slice %arg13[%dma_start3A_91, %dma_start3A_92, %dma_start3A_93] : memref<2x1024x1024xf32, #tpu.memory_space<vmem>> -> memref<1x1024x1024xf32, #tpu.memory_space<vmem>>
        %dma_start3A_95 = arith.constant 0 : i32
        %dma_start3A_96 = arith.constant 0 : i32
        %dma_start3A_97 = tpu.memref_slice %arg9[%get3A_78, %dma_start3A_95, %dma_start3A_96] : memref<8x1024x1024xf32, #tpu.memory_space<any>> -> memref<1x1024x1024xf32, #tpu.memory_space<any>>
        tpu.enqueue_dma source(%dma_start3A_97 : memref<1x1024x1024xf32, #tpu.memory_space<any>>) target(%dma_start3A_94 : memref<1x1024x1024xf32, #tpu.memory_space<vmem>>) target_semaphore(%dma_start3A_90 : memref<!tpu.dma_semaphore, #tpu.memory_space<semaphore_mem>>)
      } else {
      }
    } else {
    }
    %get3A_20 = arith.constant 0 : index
    %get3A_21 = arith.index_cast %arg0 : i32 to index
    %get3A_22 = memref.load %arg2[%get3A_20, %get3A_21] : memref<1x40xi32, #tpu.memory_space<smem>>
    %eq3A_23 = arith.constant 1 : i32
    %eq3A_24 = arith.cmpi eq, %get3A_22, %eq3A_23 : i32
    %eq3A_25 = arith.constant 0 : i32
    %eq3A_26 = arith.cmpi eq, %rem3A_2, %eq3A_25 : i32
    %and3A_27 = arith.andi %eq3A_24, %eq3A_26 : i1
    %convert_element_type3A_28 = arith.extui %and3A_27 : i1 to i32
    %cond3A_29 = arith.constant 0 : i32
    %cond3A_30 = arith.cmpi ne, %convert_element_type3A_28, %cond3A_29 : i32
    scf.if %cond3A_30 {
      %get3A_48 = arith.constant 0 : index
      %get3A_49 = arith.constant 0 : index
      %get3A_50 = vector.load %arg6[%get3A_48, %get3A_49] : memref<128x1024xf32, #tpu.memory_space<vmem>>, vector<128x1024xf32>
      %get3A_51 = arith.constant 0 : index
      %get3A_52 = arith.constant 0 : index
      %get3A_53 = arith.constant 0 : index
      %get3A_54 = vector.load %arg12[%get3A_51, %get3A_52, %get3A_53] : memref<2x1024x1024xf32, #tpu.memory_space<vmem>>, vector<1x1024x1024xf32>
      %get3A_55 = vector.shape_cast %get3A_54 : vector<1x1024x1024xf32> to vector<1024x1024xf32>
      %dot_general3A = arith.constant dense<0.000000e+00> : vector<128x1024xf32>
      %dot_general3A_56 = tpu.matmul %get3A_50, %get3A_55, %dot_general3A {dimension_numbers = #tpu.dot_dimension_numbers<[1], [0], [0], [1], [0, 0, 1, 1], [], []>, transpose_lhs_hint = false} : vector<128x1024xf32>, vector<1024x1024xf32>, vector<128x1024xf32> -> vector<128x1024xf32>
      %get3A_57 = arith.constant 0 : index
      %get3A_58 = arith.constant 0 : index
      %get3A_59 = arith.constant 0 : index
      %get3A_60 = vector.load %arg8[%get3A_57, %get3A_58, %get3A_59] : memref<1x1x1024xf32, #tpu.memory_space<vmem>>, vector<1x1x1024xf32>
      %get3A_61 = vector.shape_cast %get3A_60 : vector<1x1x1024xf32> to vector<1x1024xf32>
      %add3A = vector.broadcast %get3A_61 : vector<1x1024xf32> to vector<128x1024xf32>
      %add3A_62 = arith.addf %dot_general3A_56, %add3A : vector<128x1024xf32>
      %max3A_63 = arith.constant 0.000000e+00 : f32
      %max3A_64 = vector.broadcast %max3A_63 : f32 to vector<128x1024xf32>
      %max3A_65 = arith.maximumf %add3A_62, %max3A_64 : vector<128x1024xf32>
      %get3A_66 = arith.constant 0 : index
      %get3A_67 = arith.constant 0 : index
      %get3A_68 = arith.constant 0 : index
      %get3A_69 = vector.load %arg13[%get3A_66, %get3A_67, %get3A_68] : memref<2x1024x1024xf32, #tpu.memory_space<vmem>>, vector<1x1024x1024xf32>
      %get3A_70 = vector.shape_cast %get3A_69 : vector<1x1024x1024xf32> to vector<1024x1024xf32>
      %dot_general3A_71 = arith.constant dense<0.000000e+00> : vector<128x1024xf32>
      %dot_general3A_72 = tpu.matmul %max3A_65, %get3A_70, %dot_general3A_71 {dimension_numbers = #tpu.dot_dimension_numbers<[1], [0], [0], [1], [0, 0, 1, 1], [], []>, transpose_lhs_hint = false} : vector<128x1024xf32>, vector<1024x1024xf32>, vector<128x1024xf32> -> vector<128x1024xf32>
      %get3A_73 = arith.constant 0 : index
      %get3A_74 = arith.constant 0 : index
      %get3A_75 = arith.constant 0 : index
      %get3A_76 = vector.load %arg10[%get3A_73, %get3A_74, %get3A_75] : memref<1x1x1024xf32, #tpu.memory_space<vmem>>, vector<1x1x1024xf32>
      %get3A_77 = vector.shape_cast %get3A_76 : vector<1x1x1024xf32> to vector<1x1024xf32>
      %add3A_78 = vector.broadcast %get3A_77 : vector<1x1024xf32> to vector<128x1024xf32>
      %add3A_79 = arith.addf %dot_general3A_72, %add3A_78 : vector<128x1024xf32>
      %swap3A = arith.constant 0 : index
      %swap3A_80 = arith.constant 0 : index
      %swap3A_81 = vector.load %arg11[%swap3A, %swap3A_80] : memref<128x1024xf32, #tpu.memory_space<vmem>>, vector<128x1024xf32>
      tpu.vector_store %arg11[%swap3A, %swap3A_80], %add3A_79 {strides = array<i32>} : memref<128x1024xf32, #tpu.memory_space<vmem>>, vector<128x1024xf32>,
    } else {
    }
    %eq3A_31 = arith.constant 1 : i32
    %eq3A_32 = arith.cmpi eq, %rem3A_2, %eq3A_31 : i32
    %and3A_33 = arith.andi %or3A, %eq3A_32 : i1
    %convert_element_type3A_34 = arith.extui %and3A_33 : i1 to i32
    %cond3A_35 = arith.constant 0 : i32
    %cond3A_36 = arith.cmpi ne, %convert_element_type3A_34, %cond3A_35 : i32
    scf.if %cond3A_36 {
      %get3A_48 = arith.constant 0 : index
      %get3A_49 = arith.index_cast %get3A_1 : i32 to index
      %get3A_50 = memref.load %arg4[%get3A_48, %get3A_49] : memref<1x8xi32, #tpu.memory_space<smem>>
      %dma_wait3A = arith.constant 1 : i32
      %dma_wait3A_51 = tpu.memref_slice %arg14[%dma_wait3A] : memref<2x!tpu.dma_semaphore, #tpu.memory_space<semaphore_mem>> -> memref<1x!tpu.dma_semaphore, #tpu.memory_space<semaphore_mem>>
      %dma_wait3A_52 = tpu.memref_squeeze %dma_wait3A_51 : memref<1x!tpu.dma_semaphore, #tpu.memory_space<semaphore_mem>> -> memref<!tpu.dma_semaphore, #tpu.memory_space<semaphore_mem>>
      %dma_wait3A_53 = arith.constant 1 : i32
      %dma_wait3A_54 = arith.constant 0 : i32
      %dma_wait3A_55 = arith.constant 0 : i32
      %dma_wait3A_56 = tpu.memref_slice %arg12[%dma_wait3A_53, %dma_wait3A_54, %dma_wait3A_55] : memref<2x1024x1024xf32, #tpu.memory_space<vmem>> -> memref<1x1024x1024xf32, #tpu.memory_space<vmem>>
      %dma_wait3A_57 = arith.constant 0 : i32
      %dma_wait3A_58 = arith.constant 0 : i32
      %dma_wait3A_59 = tpu.memref_slice %arg7[%get3A_50, %dma_wait3A_57, %dma_wait3A_58] : memref<8x1024x1024xf32, #tpu.memory_space<any>> -> memref<1x1024x1024xf32, #tpu.memory_space<any>>
      tpu.wait_dma2 semaphore(%dma_wait3A_52 : memref<!tpu.dma_semaphore, #tpu.memory_space<semaphore_mem>>) src(%dma_wait3A_59 : memref<1x1024x1024xf32, #tpu.memory_space<any>>) dst(%dma_wait3A_56 : memref<1x1024x1024xf32, #tpu.memory_space<vmem>>)
      %dma_wait3A_60 = arith.constant 1 : i32
      %dma_wait3A_61 = tpu.memref_slice %arg15[%dma_wait3A_60] : memref<2x!tpu.dma_semaphore, #tpu.memory_space<semaphore_mem>> -> memref<1x!tpu.dma_semaphore, #tpu.memory_space<semaphore_mem>>
      %dma_wait3A_62 = tpu.memref_squeeze %dma_wait3A_61 : memref<1x!tpu.dma_semaphore, #tpu.memory_space<semaphore_mem>> -> memref<!tpu.dma_semaphore, #tpu.memory_space<semaphore_mem>>
      %dma_wait3A_63 = arith.constant 1 : i32
      %dma_wait3A_64 = arith.constant 0 : i32
      %dma_wait3A_65 = arith.constant 0 : i32
      %dma_wait3A_66 = tpu.memref_slice %arg13[%dma_wait3A_63, %dma_wait3A_64, %dma_wait3A_65] : memref<2x1024x1024xf32, #tpu.memory_space<vmem>> -> memref<1x1024x1024xf32, #tpu.memory_space<vmem>>
      %dma_wait3A_67 = arith.constant 0 : i32
      %dma_wait3A_68 = arith.constant 0 : i32
      %dma_wait3A_69 = tpu.memref_slice %arg9[%get3A_50, %dma_wait3A_67, %dma_wait3A_68] : memref<8x1024x1024xf32, #tpu.memory_space<any>> -> memref<1x1024x1024xf32, #tpu.memory_space<any>>
      tpu.wait_dma2 semaphore(%dma_wait3A_62 : memref<!tpu.dma_semaphore, #tpu.memory_space<semaphore_mem>>) src(%dma_wait3A_69 : memref<1x1024x1024xf32, #tpu.memory_space<any>>) dst(%dma_wait3A_66 : memref<1x1024x1024xf32, #tpu.memory_space<vmem>>)
      %add3A = arith.constant 1 : i32
      %add3A_70 = arith.addi %get3A_1, %add3A : i32
      %lt3A = arith.cmpi slt, %add3A_70, %get3A_11 : i32
      %convert_element_type3A_71 = arith.extui %lt3A : i1 to i32
      %cond3A_72 = arith.constant 0 : i32
      %cond3A_73 = arith.cmpi ne, %convert_element_type3A_71, %cond3A_72 : i32
      scf.if %cond3A_73 {
        %add3A_74 = arith.constant 1 : i32
        %add3A_75 = arith.addi %get3A_1, %add3A_74 : i32
        %get3A_76 = arith.constant 0 : index
        %get3A_77 = arith.index_cast %add3A_75 : i32 to index
        %get3A_78 = memref.load %arg4[%get3A_76, %get3A_77] : memref<1x8xi32, #tpu.memory_space<smem>>
        %dma_start3A = arith.constant 0 : i32
        %dma_start3A_79 = tpu.memref_slice %arg14[%dma_start3A] : memref<2x!tpu.dma_semaphore, #tpu.memory_space<semaphore_mem>> -> memref<1x!tpu.dma_semaphore, #tpu.memory_space<semaphore_mem>>
        %dma_start3A_80 = tpu.memref_squeeze %dma_start3A_79 : memref<1x!tpu.dma_semaphore, #tpu.memory_space<semaphore_mem>> -> memref<!tpu.dma_semaphore, #tpu.memory_space<semaphore_mem>>
        %dma_start3A_81 = arith.constant 0 : i32
        %dma_start3A_82 = arith.constant 0 : i32
        %dma_start3A_83 = arith.constant 0 : i32
        %dma_start3A_84 = tpu.memref_slice %arg12[%dma_start3A_81, %dma_start3A_82, %dma_start3A_83] : memref<2x1024x1024xf32, #tpu.memory_space<vmem>> -> memref<1x1024x1024xf32, #tpu.memory_space<vmem>>
        %dma_start3A_85 = arith.constant 0 : i32
        %dma_start3A_86 = arith.constant 0 : i32
        %dma_start3A_87 = tpu.memref_slice %arg7[%get3A_78, %dma_start3A_85, %dma_start3A_86] : memref<8x1024x1024xf32, #tpu.memory_space<any>> -> memref<1x1024x1024xf32, #tpu.memory_space<any>>
        tpu.enqueue_dma source(%dma_start3A_87 : memref<1x1024x1024xf32, #tpu.memory_space<any>>) target(%dma_start3A_84 : memref<1x1024x1024xf32, #tpu.memory_space<vmem>>) target_semaphore(%dma_start3A_80 : memref<!tpu.dma_semaphore, #tpu.memory_space<semaphore_mem>>)
        %dma_start3A_88 = arith.constant 0 : i32
        %dma_start3A_89 = tpu.memref_slice %arg15[%dma_start3A_88] : memref<2x!tpu.dma_semaphore, #tpu.memory_space<semaphore_mem>> -> memref<1x!tpu.dma_semaphore, #tpu.memory_space<semaphore_mem>>
        %dma_start3A_90 = tpu.memref_squeeze %dma_start3A_89 : memref<1x!tpu.dma_semaphore, #tpu.memory_space<semaphore_mem>> -> memref<!tpu.dma_semaphore, #tpu.memory_space<semaphore_mem>>
        %dma_start3A_91 = arith.constant 0 : i32
        %dma_start3A_92 = arith.constant 0 : i32
        %dma_start3A_93 = arith.constant 0 : i32
        %dma_start3A_94 = tpu.memref_slice %arg13[%dma_start3A_91, %dma_start3A_92, %dma_start3A_93] : memref<2x1024x1024xf32, #tpu.memory_space<vmem>> -> memref<1x1024x1024xf32, #tpu.memory_space<vmem>>
        %dma_start3A_95 = arith.constant 0 : i32
        %dma_start3A_96 = arith.constant 0 : i32
        %dma_start3A_97 = tpu.memref_slice %arg9[%get3A_78, %dma_start3A_95, %dma_start3A_96] : memref<8x1024x1024xf32, #tpu.memory_space<any>> -> memref<1x1024x1024xf32, #tpu.memory_space<any>>
        tpu.enqueue_dma source(%dma_start3A_97 : memref<1x1024x1024xf32, #tpu.memory_space<any>>) target(%dma_start3A_94 : memref<1x1024x1024xf32, #tpu.memory_space<vmem>>) target_semaphore(%dma_start3A_90 : memref<!tpu.dma_semaphore, #tpu.memory_space<semaphore_mem>>)
      } else {
      }
    } else {
    }
    %get3A_37 = arith.constant 0 : index
    %get3A_38 = arith.index_cast %arg0 : i32 to index
    %get3A_39 = memref.load %arg2[%get3A_37, %get3A_38] : memref<1x40xi32, #tpu.memory_space<smem>>
    %eq3A_40 = arith.constant 1 : i32
    %eq3A_41 = arith.cmpi eq, %get3A_39, %eq3A_40 : i32
    %eq3A_42 = arith.constant 1 : i32
    %eq3A_43 = arith.cmpi eq, %rem3A_2, %eq3A_42 : i32
    %and3A_44 = arith.andi %eq3A_41, %eq3A_43 : i1
    %convert_element_type3A_45 = arith.extui %and3A_44 : i1 to i32
    %cond3A_46 = arith.constant 0 : i32
    %cond3A_47 = arith.cmpi ne, %convert_element_type3A_45, %cond3A_46 : i32
    scf.if %cond3A_47 {
      %get3A_48 = arith.constant 0 : index
      %get3A_49 = arith.constant 0 : index
      %get3A_50 = vector.load %arg6[%get3A_48, %get3A_49] : memref<128x1024xf32, #tpu.memory_space<vmem>>, vector<128x1024xf32>
      %get3A_51 = arith.constant 1 : index
      %get3A_52 = arith.constant 0 : index
      %get3A_53 = arith.constant 0 : index
      %get3A_54 = vector.load %arg12[%get3A_51, %get3A_52, %get3A_53] : memref<2x1024x1024xf32, #tpu.memory_space<vmem>>, vector<1x1024x1024xf32>
      %get3A_55 = vector.shape_cast %get3A_54 : vector<1x1024x1024xf32> to vector<1024x1024xf32>
      %dot_general3A = arith.constant dense<0.000000e+00> : vector<128x1024xf32>
      %dot_general3A_56 = tpu.matmul %get3A_50, %get3A_55, %dot_general3A {dimension_numbers = #tpu.dot_dimension_numbers<[1], [0], [0], [1], [0, 0, 1, 1], [], []>, transpose_lhs_hint = false} : vector<128x1024xf32>, vector<1024x1024xf32>, vector<128x1024xf32> -> vector<128x1024xf32>
      %get3A_57 = arith.constant 0 : index
      %get3A_58 = arith.constant 0 : index
      %get3A_59 = arith.constant 0 : index
      %get3A_60 = vector.load %arg8[%get3A_57, %get3A_58, %get3A_59] : memref<1x1x1024xf32, #tpu.memory_space<vmem>>, vector<1x1x1024xf32>
      %get3A_61 = vector.shape_cast %get3A_60 : vector<1x1x1024xf32> to vector<1x1024xf32>
      %add3A = vector.broadcast %get3A_61 : vector<1x1024xf32> to vector<128x1024xf32>
      %add3A_62 = arith.addf %dot_general3A_56, %add3A : vector<128x1024xf32>
      %max3A_63 = arith.constant 0.000000e+00 : f32
      %max3A_64 = vector.broadcast %max3A_63 : f32 to vector<128x1024xf32>
      %max3A_65 = arith.maximumf %add3A_62, %max3A_64 : vector<128x1024xf32>
      %get3A_66 = arith.constant 1 : index
      %get3A_67 = arith.constant 0 : index
      %get3A_68 = arith.constant 0 : index
      %get3A_69 = vector.load %arg13[%get3A_66, %get3A_67, %get3A_68] : memref<2x1024x1024xf32, #tpu.memory_space<vmem>>, vector<1x1024x1024xf32>
      %get3A_70 = vector.shape_cast %get3A_69 : vector<1x1024x1024xf32> to vector<1024x1024xf32>
      %dot_general3A_71 = arith.constant dense<0.000000e+00> : vector<128x1024xf32>
      %dot_general3A_72 = tpu.matmul %max3A_65, %get3A_70, %dot_general3A_71 {dimension_numbers = #tpu.dot_dimension_numbers<[1], [0], [0], [1], [0, 0, 1, 1], [], []>, transpose_lhs_hint = false} : vector<128x1024xf32>, vector<1024x1024xf32>, vector<128x1024xf32> -> vector<128x1024xf32>
      %get3A_73 = arith.constant 0 : index
      %get3A_74 = arith.constant 0 : index
      %get3A_75 = arith.constant 0 : index
      %get3A_76 = vector.load %arg10[%get3A_73, %get3A_74, %get3A_75] : memref<1x1x1024xf32, #tpu.memory_space<vmem>>, vector<1x1x1024xf32>
      %get3A_77 = vector.shape_cast %get3A_76 : vector<1x1x1024xf32> to vector<1x1024xf32>
      %add3A_78 = vector.broadcast %get3A_77 : vector<1x1024xf32> to vector<128x1024xf32>
      %add3A_79 = arith.addf %dot_general3A_72, %add3A_78 : vector<128x1024xf32>
      %swap3A = arith.constant 0 : index
      %swap3A_80 = arith.constant 0 : index
      %swap3A_81 = vector.load %arg11[%swap3A, %swap3A_80] : memref<128x1024xf32, #tpu.memory_space<vmem>>, vector<128x1024xf32>
      tpu.vector_store %arg11[%swap3A, %swap3A_80], %add3A_79 {strides = array<i32>} : memref<128x1024xf32, #tpu.memory_space<vmem>>, vector<128x1024xf32>,
    } else {
    }
    return
  }
  func.func @transform_0(%arg0: i32, %arg1: memref<1x40xi32, #tpu.memory_space<smem>>, %arg2: memref<1x40xi32, #tpu.memory_space<smem>>, %arg3: memref<1x40xi32, #tpu.memory_space<smem>>, %arg4: memref<1x8xi32, #tpu.memory_space<smem>>, %arg5: memref<1x1xi32, #tpu.memory_space<smem>>) -> (i32, i32) {
    %c0_i32 = arith.constant 0 : i32
    %c0_i32_0 = arith.constant 0 : i32
    return %arg0, %c0_i32 : i32, i32
  }
  func.func @transform_2(%arg0: i32, %arg1: memref<1x40xi32, #tpu.memory_space<smem>>, %arg2: memref<1x40xi32, #tpu.memory_space<smem>>, %arg3: memref<1x40xi32, #tpu.memory_space<smem>>, %arg4: memref<1x8xi32, #tpu.memory_space<smem>>, %arg5: memref<1x1xi32, #tpu.memory_space<smem>>) -> (i32, i32, i32) {
    %get3A = arith.constant 0 : index
    %get3A_0 = arith.index_cast %arg0 : i32 to index
    %get3A_1 = memref.load %arg1[%get3A, %get3A_0] : memref<1x40xi32, #tpu.memory_space<smem>>
    %c0_i32 = arith.constant 0 : i32
    %c0_i32_2 = arith.constant 0 : i32
    %c0_i32_3 = arith.constant 0 : i32
    return %get3A_1, %c0_i32, %c0_i32_2 : i32, i32, i32
  }
  func.func @transform_4(%arg0: i32, %arg1: memref<1x40xi32, #tpu.memory_space<smem>>, %arg2: memref<1x40xi32, #tpu.memory_space<smem>>, %arg3: memref<1x40xi32, #tpu.memory_space<smem>>, %arg4: memref<1x8xi32, #tpu.memory_space<smem>>, %arg5: memref<1x1xi32, #tpu.memory_space<smem>>) -> (i32, i32, i32) {
    %get3A = arith.constant 0 : index
    %get3A_0 = arith.index_cast %arg0 : i32 to index
    %get3A_1 = memref.load %arg1[%get3A, %get3A_0] : memref<1x40xi32, #tpu.memory_space<smem>>
    %c0_i32 = arith.constant 0 : i32
    %c0_i32_2 = arith.constant 0 : i32
    %c0_i32_3 = arith.constant 0 : i32
    return %get3A_1, %c0_i32, %c0_i32_2 : i32, i32, i32
  }
  func.func @transform_5(%arg0: i32, %arg1: memref<1x40xi32, #tpu.memory_space<smem>>, %arg2: memref<1x40xi32, #tpu.memory_space<smem>>, %arg3: memref<1x40xi32, #tpu.memory_space<smem>>, %arg4: memref<1x8xi32, #tpu.memory_space<smem>>, %arg5: memref<1x1xi32, #tpu.memory_space<smem>>) -> (i32, i32) {
    %c0_i32 = arith.constant 0 : i32
    %c0_i32_0 = arith.constant 0 : i32
    return %arg0, %c0_i32 : i32, i32
  }
}

</mosaic_0001>

<sc_bundles>
// kernel: kernel.6.cloned.1.call-start
scs
__scs_entry_jumppad:
0x0: {  	(pc) =	sbr.rel $0x88, $3  }
0x1: {  	(tag) =	ssettag $0x0;
	lr =	simm.s32 $0x1  }
0x2: {  	[smem:$0x3F97] =	sst lr;
	_ =	strace $0xD0000000  }
0x3: {  	_ = 	snop  }
0x4: {  	_ = 	snop  }
0x5: {  	_ = 	snop  }
0x6: {  	_ = 	snop  }
0x7: {  	_ = 	snop  }
__scs_overlays_trampoline_lowered:
0x8: {  	[smem:$0x3FA6] =	sst s0  }
0x9: {  	[smem:$0x3FA7] =	sst s1  }
0xa: {  	[smem:$0x3FA8] =	sst s2  }
0xb: {  	[smem:$0x3FA9] =	sst s3  }
0xc: {  	[smem:$0x3FAA] =	sst s4  }
0xd: {  	[smem:$0x3FAB] =	sst s5  }
0xe: {  	[smem:$0x3FAC] =	sst s6  }
0xf: {  	[smem:$0x3FAD] =	sst s7  }
0x10: {  	[smem:$0x3FAE] =	sst s8  }
0x11: {  	[smem:$0x3FAF] =	sst s9;
	s0 =	simm.s32 @!p0 $0x0  }
0x12: {  	s1 =	sld [smem:$0x3F95];
	s0 =	simm.s32 @p0 $0x1  }
0x13: {  	[smem:$0x3FB0] =	sst s0;
	s0 =	simm.s32 @!p1 $0x0  }
0x14: {  	s2 =	sld [smem:$0x3F94];
	s0 =	simm.s32 @p1 $0x1  }
0x15: {  	[smem:$0x3FB1] =	sst s0;
	s0 =	simm.s32 @!p2 $0x0  }
0x16: {  	s3 =	sld [smem:$0x3FDB];
	s0 =	simm.s32 @p2 $0x1  }
0x17: {  	s4 =	simm.s32 $0x1BF5;
	[smem:$0x3FB3] =	sst s0  }
0x18: {  	s0 =	sld [smem:$0x3F96];
	_ =	swait.ge [sflag:s4], $0x0  }
0x19: {  	s7 =	sld [smem:$0x3F97]  }
0x1a: {  	s8 =	sadd.s32 $0xFFFFE003, lr  }
0x1b: {  	s9 =	sadd.s32 $0xFFFFFEF7, lr;
	s5 =	simm.s32 $0xFFFFFFFF;
	p2 =	slt.u32 s8, $0xFFFFF086  }
0x1c: {  	p1 =	slt.u32 s9, $0xF7A;
	s5 =	simm.s32 @!p2 $0x0  }
0x1d: {  	s5 =	simm.s32 @p1 $0x1;
	p0 =	seq.s32 s7, s2  }
0x1e: {  	s7 =	smul.u32 @!p0 $0xF7A, s2;
	p2 =	seq.s32 @!p0 s5, $0x0  }
0x1f: {  	s9 =	smul.u32 $0xF7A, s1;
	s8 =	simm.s32 @!p0 $0x1BF5;
	p2 =	por !p2, p0  }
0x20: {  	[sflag:s8] =	ssyncset.s32 @!p0 $0xFFFFF086;
	s6 =	sadd.s32 @!p0 s3, s7;
	s7 =	simm.s32 @!p0 $0x108  }
0x21: {  	s3 =	sadd.s32 s3, s9;
	s6 =	sadd.s32 @!p0 $0x88, s6;
	s7 =	simm.s32 @p2 $0x1082  }
0x22: {  	[simem:s7], [sflag:s8] =	dma.local @!p0 [hbm:s6], $0xF7A  }
0x23: {  	s9 =	sor.u32 $0xD0000000, s2;
	s6 =	simm.s32 $0x108;
	_ =	swait.ge @!p0 [sflag:s8], $0x0  }
0x24: {  	s3 =	sadd.s32 $0x88, s3;
	s6 =	simm.s32 @!p1 $0x1082;
	[sflag:s4] =	ssyncset.s32 $0xFFFFF086  }
0x25: {  	[simem:s6], [sflag:s4] =	dma.local [hbm:s3], $0xF7A  }
0x26: {  	[smem:$0x3F97] =	sst s1;
	(tag) =	ssettag s2;
	_ =	strace s9  }
0x27: {  	s1 =	sld [smem:$0x3FA7]  }
0x28: {  	s2 =	sld [smem:$0x3FA8]  }
0x29: {  	s4 =	sld [smem:$0x3FAA]  }
0x2a: {  	p0 =	seq.s32 s5, $0x0;
	s5 =	sld [smem:$0x3FAB]  }
0x2b: {  	s6 =	sld [smem:$0x3FAC]  }
0x2c: {  	s7 =	sld [smem:$0x3FAD]  }
0x2d: {  	s3 =	simm.s32 $0x108;
	s8 =	sld [smem:$0x3FAE]  }
0x2e: {  	s3 =	simm.s32 @!p0 $0x1082;
	s9 =	sld [smem:$0x3FAF]  }
0x2f: {  	lr =	sadd.s32 s0, s3;
	s0 =	sld [smem:$0x3FA6]  }
0x30: {  	s3 =	sld [smem:$0x3FA9]  }
0x31: {  	[smem:$0x3FB2] =	sst s10  }
0x32: {  	s10 =	sld [smem:$0x3FB0];
	_ =	sdelay $0x3  }
0x33: {  	p0 =	seq.s32 s10, $0x1;
	s10 =	sld [smem:$0x3FB2];
	_ =	sdelay $0x3  }
0x34: {  	[smem:$0x3FB2] =	sst s10  }
0x35: {  	s10 =	sld [smem:$0x3FB1];
	_ =	sdelay $0x3  }
0x36: {  	p1 =	seq.s32 s10, $0x1;
	s10 =	sld [smem:$0x3FB2];
	_ =	sdelay $0x3  }
0x37: {  	[smem:$0x3FB2] =	sst s10  }
0x38: {  	s10 =	sld [smem:$0x3FB3]  }
0x39: {  	_ = 	snop;
	(pc) =	sbr.ind lr, $3  }
0x3a: {  	_ = 	snop  }
0x3b: {  	_ = 	snop  }
0x3c: {  	p2 =	seq.s32 s10, $0x1;
	s10 =	sld [smem:$0x3FB2]  }
0x3d: {  	_ =	shalt  }
0x3e: {  	_ =	shalt  }
0x3f: {  	_ =	shalt  }
0x40: {  	_ =	shalt  }
0x41: {  	_ =	shalt  }
0x42: {  	_ =	shalt  }
0x43: {  	_ =	shalt  }
0x44: {  	_ =	shalt  }
0x45: {  	_ =	shalt  }
0x46: {  	_ =	shalt  }
0x47: {  	_ =	shalt  }
0x48: {  	_ =	shalt  }
0x49: {  	_ =	shalt  }
0x4a: {  	_ =	shalt  }
0x4b: {  	_ =	shalt  }
0x4c: {  	_ =	shalt  }
0x4d: {  	_ =	shalt  }
0x4e: {  	_ =	shalt  }
0x4f: {  	_ =	shalt  }
0x50: {  	_ =	shalt  }
0x51: {  	_ =	shalt  }
0x52: {  	_ =	shalt  }
0x53: {  	_ =	shalt  }
0x54: {  	_ =	shalt  }
0x55: {  	_ =	shalt  }
0x56: {  	_ =	shalt  }
0x57: {  	_ =	shalt  }
0x58: {  	_ =	shalt  }
0x59: {  	_ =	shalt  }
0x5a: {  	_ =	shalt  }
0x5b: {  	_ =	shalt  }
0x5c: {  	_ =	shalt  }
0x5d: {  	_ =	shalt  }
0x5e: {  	_ =	shalt  }
0x5f: {  	_ =	shalt  }
0x60: {  	_ =	shalt  }
0x61: {  	_ =	shalt  }
0x62: {  	_ =	shalt  }
0x63: {  	_ =	shalt  }
0x64: {  	_ =	shalt  }
0x65: {  	_ =	shalt  }
0x66: {  	_ =	shalt  }
0x67: {  	_ =	shalt  }
0x68: {  	_ =	shalt  }
0x69: {  	_ =	shalt  }
0x6a: {  	_ =	shalt  }
0x6b: {  	_ =	shalt  }
0x6c: {  	_ =	shalt  }
0x6d: {  	_ =	shalt  }
0x6e: {  	_ =	shalt  }
0x6f: {  	_ =	shalt  }
0x70: {  	_ =	shalt  }
0x71: {  	_ =	shalt  }
0x72: {  	_ =	shalt  }
0x73: {  	_ =	shalt  }
0x74: {  	_ =	shalt  }
0x75: {  	_ =	shalt  }
0x76: {  	_ =	shalt  }
0x77: {  	_ =	shalt  }
0x78: {  	_ =	shalt  }
0x79: {  	_ =	shalt  }
0x7a: {  	_ =	shalt  }
0x7b: {  	_ =	shalt  }
0x7c: {  	_ =	shalt  }
0x7d: {  	_ =	shalt  }
0x7e: {  	_ =	shalt  }
0x7f: {  	_ =	shalt  }
0x80: {  	_ =	shalt  }
0x81: {  	_ =	shalt  }
0x82: {  	_ =	shalt  }
0x83: {  	_ =	shalt  }
0x84: {  	_ =	shalt  }
0x85: {  	_ =	shalt  }
0x86: {  	_ =	shalt  }
0x87: {  	_ =	shalt  }
.Lfunc_end0:
.L_simem_size_0:
called_computation_lowered:
.L_overlay_start_0:
0x88: {  	s2 =	sld [smem:$0x3FD9]  }
0x89: {  	s3 =	sld [smem:$0x3FFE];
	_ =	sdelay $0x1  }
0x8a: {  	s1 =	srdreg.scid  }
0x8b: {  	s0 =	sand.u32 $0x1, s1  }
0x8c: {  	s17 =	sshll.u32 s0, $0xA;
	s2 =	sadd.s32 s3, s2  }
0x8d: {  	s2 =	sadd.s32 s2, s17  }
0x8e: {  	[smem:$0x3FBE] =	sst s2  }
0x8f: {  	_ = 	snop  }
0x90: {  	s2 =	sld [smem:$0x3FC9];
	(tm) =	ssettm $0x1  }
0x91: {  	s18 =	sld [smem:$0x3FFB];
	_ =	sdelay $0x3  }
0x92: {  	_ =	strace s18  }
0x93: {  	s3 =	sld [smem:$0x3FFC];
	_ =	sdelay $0x3  }
0x94: {  	_ =	strace s3  }
0x95: {  	s3 =	sld [smem:$0x3FFD];
	_ =	sdelay $0x3  }
0x96: {  	_ =	strace s3  }
0x97: {  	_ =	strace $0x8FFFFFFF  }
0x98: {  	s19 =	sld [smem:$0x3FDB];
	_ =	sdelay $0x1  }
0x99: {  	s4 =	simm.s32 $_scs_section_size  }
0x9a: {  	s5 =	simm.s32 $_size__tile_overlayer_lowered;
	s6 =	simm.s32 $_tile_overlayer_lowered  }
0x9b: {  	s22 =	simm.s32 $0x1BFF;
	s21 =	sshll.u32 s6, $0x1;
	s3 =	sadd.s32 s4, s19  }
0x9c: {  	s7 =	simm.s32 $0x0;
	s20 =	sshll.u32 s5, $0x1;
	s5 =	sadd.s32 s21, s3  }
0x9d: {  	[timem:s7], [sflag:s22] =	dma.local [hbm:s5], s20  }
0x9e: {  	_ =	swait.ge [sflag:s22], s20  }
0x9f: {  	s4 =	ssub.s32 $0x0, s20;
	[sflag:s22] =	ssyncset.done $0x0  }
0xa0: {  	[sflag:s22] =	ssyncadd.s32 s4;
	_ =	sdelay $0x1  }
0xa1: {  	s23 =	simm.s32 $0x1B8B  }
0xa2: {  	_ =	swait.ge [sflag:s23], $0x1  }
0xa3: {  	[sflag:s23] =	ssyncset.done $0x0  }
0xa4: {  	s25 =	simm.s32 $0x1B8E;
	s24 =	sld [smem:$0x3FFE];
	[sflag:s23] =	ssyncadd.s32 $0xFFFFFFFF  }
0xa5: {  	s26 =	simm.s32 $execute0_lowered;
	[smem:$0x3FD2] =	sst s25  }
0xa6: {  	s5 =	sshll.u32 s26, $0x1;
	_ =	strace $0x80000046;
	[dreg:$0x1] =	wrdreg $0xFFFFFFFF  }
0xa7: {  	s28 =	simm.s32 $_size_execute0_lowered;
	s3 =	sadd.s32 s3, s5;
	[dreg:$0x0] =	wrdreg $0x0  }
0xa8: {  	s5 =	sshll.u32 s28, $0x1;
	[dreg:$0x2] =	wrdreg s3  }
0xa9: {  	[dreg:$0x3] =	wrdreg s5  }
0xaa: {  	[dreg:$0x4] =	wrdreg $0xC0  }
0xab: {  	_ =	task [dreg:s7], $0x5FFFF  }
0xac: {  	[dreg:$0x1] =	wrdreg $0xFFFFFFFF  }
0xad: {  	[dreg:$0x0] =	wrdreg $0x60  }
0xae: {  	[dreg:$0x2] =	wrdreg s2  }
0xaf: {  	[dreg:$0x3] =	wrdreg s24  }
0xb0: {  	[dreg:$0x4] =	wrdreg $0x9  }
0xb1: {  	_ =	task.clear_ibuf [dreg:s7], $0x5FFFF;
	_ =	strace $0x90000046  }
0xb2: {  	s29 =	simm.s32 $0x9;
	_ =	strace $0x80000048  }
0xb3: {  	_ =	swait.ge [sflag:s29], $0x1  }
0xb4: {  	[sflag:s29] =	ssyncadd.s32 $0xFFFFFFFF  }
0xb5: {  	_ =	strace $0x90000048  }
0xb6: {  	_ =	sfence  }
0xb7: {  	s30 =	sld [smem:$0x0];
	_ =	sdelay $0x2  }
0xb8: {  	s31 =	sshll.u32 s1, $0xD;
	s1 =	sshrl.u32 s1, $0x2  }
0xb9: {  	s3 =	sand.u32 $0x4000, s31;
	s1 =	sadd.s32 s1, s30  }
0xba: {  	s0 =	sor.u32 s3, s0;
	s1 =	sshll.u32 s1, $0x11  }
0xbb: {  	s0 =	sor.u32 s1, s0  }
0xbc: {  	s0 =	sadd.s32 $0x8F2B, s0  }
0xbd: {  	[sflag:s0] =	ssyncadd.remote.s32 $0x1  }
0xbe: {  	_ =	sfence.sel $0xFFFF  }
0xbf: {  	[dreg:$0x0] =	wrdreg $0xFFFFFFFF;
	(pc) =	sbr.abs _section_cstart, $3  }
0xc0: {  	[dreg:$0x1] =	wrdreg $0xFFFFFFFF  }
0xc1: {  	_ =	task.clear_ibuf [dreg:s7], $0x2FFFF;
	_ =	strace $0x9FFFFFFF  }
0xc2: {  	(tm) =	ssettm $0x7FFFFFFF  }
0xc3: {  	_ =	shalt  }
tec
execute0_lowered:
.L_overlay_start_1:
0x0: {  	(tag) =	ssettag $0x1  }
0x1: {  	s0 =	srdreg.scid;
	s1 =	rddreg [dreg:$0x0]  }
0x2: {  	s2 =	stileid.u32;
	s6 =	rddreg [dreg:$0x1]  }
0x3: {  	s26 =	simm.s32 $0x80;
	s9 =	simm.s32 $0x1;
	s21 =	simm.s32 $0x2100  }
0x4: {  	s22 =	simm.s32 $0x2900;
	s23 =	simm.s32 $0x3100;
	s28 =	simm.s32 $0x5100  }
0x5: {  	s29 =	simm.s32 $0x5900;
	s30 =	simm.s32 $0x6100;
	s31 =	simm.s32 $0x6900  }
0x6: {  	s10 =	simm.s32 $0x8100;
	s11 =	simm.s32 $0x8900;
	s12 =	simm.s32 $0x9100  }
0x7: {  	s13 =	simm.s32 $0x9900;
	s14 =	simm.s32 $0xA100;
	s15 =	simm.s32 $0xA900  }
0x8: {  	s16 =	simm.s32 $0xB100;
	s17 =	simm.s32 $0xB900;
	s0 =	sand.u32 $0x1, s0  }
0x9: {  	s3 =	sshll.u32 s2, $0x7;
	s2 =	simm.s32 $0x0;
	s4 =	sshll.u32 s0, $0x6  }
0xa: {  	[smem:$0x7FF] =	sst s2;
	s0 =	ssub.s32 $0x2, s0;
	s3 =	sor.u32 s4, s3  }
0xb: {  	_ =	strace $0x80000047;
	s5 =	sshrl.u32 s0, $0x1;
	[dreg:$0x6] =	wrdreg s26  }
0xc: {  	s26 =	simm.s32 $0x4900;
	s4 =	sshrl.u32 s3, $0x3;
	s3 =	sshll.u32 s3, $0x7  }
0xd: {  	s0 =	ssub.s32 s0, s5;
	s5 =	sadd.s32 $0x11800, s6;
	s4 =	sadd.s32 s4, s6  }
0xe: {  	s1 =	sadd.s32 s1, s3;
	s3 =	sadd.s32 $0x11600, s6;
	s7 =	smax.u32 s0, $0x1  }
0xf: {  	v2 =	vlaneseq.u32;
	[dreg:$0x3] =	wrdreg s1;
	s24 =	sadd.s32 $0x11200, s4;
	s25 =	sadd.s32 $0x11400, s4  }
0x10: {  	vm0 =	vmmov $0xffff;
	v1 =	vshrl.u32 v2, $0x3;
	s4 =	sadd.s32 $0x11700, s6;
	s6 =	sadd.s32 $0x11900, s6;
	[dreg:$0x4] =	wrdreg s24  }
0x11: {  	v0 =	vand.u32 $0x7, v2;
	v2 =	vor.u32 $0x8, v2;
	v1 =	vmul.u32 $0x8, v1;
	[dreg:$0x5] =	wrdreg s25;
	s24 =	simm.s32 $0x3900;
	s25 =	simm.s32 $0x4100  }
.LBB2_1:
0x12: {  	s18 =	rddreg [dreg:$0x3]  }
0x13: {  	s0 =	simm.s32 $0x100;
	s8 =	rddreg [dreg:$0x4]  }
0x14: {  	[tilespmem:s0], [sflag:$0x1] =	stream.linear.gather [hbm4b:s18+s2], $0x10000, $0x38;
	[tilespmem:$0x10100] =	vst v63  }
0x15: {  	s19 =	rddreg [dreg:$0x5]  }
0x16: {  	[tilespmem:s2], [sflag:$0x1] =	stream.linear.gather [hbm4b:s8+s2], $0x40, $0x38;
	[tilespmem:$0x10100] =	vst v63  }
0x17: {  	s20 =	rddreg [dreg:$0x6]  }
0x18: {  	[tilespmem:s20], [sflag:$0x1] =	stream.linear.gather [hbm4b:s19+s2], $0x40, $0x38;
	[tilespmem:$0x10100] =	vst v63  }
0x19: {  	_ =	swait.ge [sflag:s9], $0x10000  }
0x1a: {  	[sflag:s9] =	ssyncset.done $0x0  }
0x1b: {  	[sflag:s9] =	ssyncadd.s32 $0xFFFF0000  }
0x1c: {  	_ =	swait.ge [sflag:s9], $0x40  }
0x1d: {  	[sflag:s9] =	ssyncset.done $0x0  }
0x1e: {  	[sflag:s9] =	ssyncadd.s32 $0xFFFFFFC0  }
0x1f: {  	_ =	swait.ge [sflag:s9], $0x40  }
0x20: {  	[sflag:s9] =	ssyncset.done $0x0  }
0x21: {  	[sflag:s9] =	ssyncadd.s32 $0xFFFFFFC0  }
0x22: {  	v3 =	vld [tilespmem:$0x0];
	_ =	sdelay $0x4  }
0x23: {  	v4 =	vshll.u32 v3, $0x3  }
0x24: {  	v3 =	vand.u32 $0x7, v3;
	v4 =	vand.u32 $0xFFFFFFC0, v4  }
0x25: {  	v3 =	vor.u32 v3, v4  }
0x26: {  	v4 =	vperm.xlane v3, v0;
	_ =	sdelay $0x1  }
0x27: {  	v4 =	vadd.s32 v1, v4;
	_ =	sdelay $0x4  }
0x28: {  	[hbm4b:s3+s2] =	stream.indirect_vreg.scatter [tilespmem:s0], [sflag:$0x1], $0x80, v4, vm0, $0xb8;
	[tilespmem:$0x10100] =	vst v63  }
0x29: {  	s18 =	simm.s32 $0x900;
	v3 =	vperm.xlane v3, v2  }
0x2a: {  	[hbm4b:s4+s2] =	stream.indirect_vreg.scatter [tilespmem:s18], [sflag:$0x1], $0x80, v4, vm0, $0xb8;
	[tilespmem:$0x10100] =	vst v63  }
0x2b: {  	s19 =	simm.s32 $0x1100;
	v3 =	vadd.s32 v1, v3  }
0x2c: {  	[hbm4b:s5+s2] =	stream.indirect_vreg.scatter [tilespmem:s19], [sflag:$0x1], $0x80, v4, vm0, $0xb8;
	[tilespmem:$0x10100] =	vst v63  }
0x2d: {  	s20 =	simm.s32 $0x1900  }
0x2e: {  	[hbm4b:s6+s2] =	stream.indirect_vreg.scatter [tilespmem:s20], [sflag:$0x1], $0x80, v4, vm0, $0xb8;
	[tilespmem:$0x10100] =	vst v63  }
0x2f: {  	_ = 	snop  }
0x30: {  	[hbm4b:s3+s2] =	stream.indirect_vreg.scatter [tilespmem:s21], [sflag:$0x1], $0x80, v3, vm0, $0xb8;
	[tilespmem:$0x10100] =	vst v63  }
0x31: {  	_ = 	snop  }
0x32: {  	[hbm4b:s4+s2] =	stream.indirect_vreg.scatter [tilespmem:s22], [sflag:$0x1], $0x80, v3, vm0, $0xb8;
	[tilespmem:$0x10100] =	vst v63  }
0x33: {  	_ = 	snop  }
0x34: {  	[hbm4b:s5+s2] =	stream.indirect_vreg.scatter [tilespmem:s23], [sflag:$0x1], $0x80, v3, vm0, $0xb8;
	[tilespmem:$0x10100] =	vst v63  }
0x35: {  	_ = 	snop  }
0x36: {  	[hbm4b:s6+s2] =	stream.indirect_vreg.scatter [tilespmem:s24], [sflag:$0x1], $0x80, v3, vm0, $0xb8;
	[tilespmem:$0x10100] =	vst v63  }
0x37: {  	v3 =	vld [tilespmem:$0x10];
	_ =	sdelay $0x4  }
0x38: {  	v57 =	vshll.u32 v3, $0x3  }
0x39: {  	v3 =	vand.u32 $0x7, v3;
	v4 =	vand.u32 $0xFFFFFFC0, v57  }
0x3a: {  	v3 =	vor.u32 v3, v4  }
0x3b: {  	v4 =	vperm.xlane v3, v0;
	_ =	sdelay $0x1  }
0x3c: {  	v4 =	vadd.s32 v1, v4;
	_ =	sdelay $0x4  }
0x3d: {  	[hbm4b:s3+s2] =	stream.indirect_vreg.scatter [tilespmem:s25], [sflag:$0x1], $0x80, v4, vm0, $0xb8;
	[tilespmem:$0x10100] =	vst v63  }
0x3e: {  	v3 =	vperm.xlane v3, v2  }
0x3f: {  	[hbm4b:s4+s2] =	stream.indirect_vreg.scatter [tilespmem:s26], [sflag:$0x1], $0x80, v4, vm0, $0xb8;
	[tilespmem:$0x10100] =	vst v63  }
0x40: {  	v3 =	vadd.s32 v1, v3  }
0x41: {  	[hbm4b:s5+s2] =	stream.indirect_vreg.scatter [tilespmem:s28], [sflag:$0x1], $0x80, v4, vm0, $0xb8;
	[tilespmem:$0x10100] =	vst v63  }
0x42: {  	_ = 	snop  }
0x43: {  	[hbm4b:s6+s2] =	stream.indirect_vreg.scatter [tilespmem:s29], [sflag:$0x1], $0x80, v4, vm0, $0xb8;
	[tilespmem:$0x10100] =	vst v63  }
0x44: {  	_ = 	snop  }
0x45: {  	[hbm4b:s3+s2] =	stream.indirect_vreg.scatter [tilespmem:s30], [sflag:$0x1], $0x80, v3, vm0, $0xb8;
	[tilespmem:$0x10100] =	vst v63  }
0x46: {  	_ = 	snop  }
0x47: {  	[hbm4b:s4+s2] =	stream.indirect_vreg.scatter [tilespmem:s31], [sflag:$0x1], $0x80, v3, vm0, $0xb8;
	[tilespmem:$0x10100] =	vst v63  }
0x48: {  	s1 =	simm.s32 $0x7100  }
0x49: {  	[hbm4b:s5+s2] =	stream.indirect_vreg.scatter [tilespmem:s1], [sflag:$0x1], $0x80, v3, vm0, $0xb8;
	[tilespmem:$0x10100] =	vst v63  }
0x4a: {  	s8 =	simm.s32 $0x7900  }
0x4b: {  	[hbm4b:s6+s2] =	stream.indirect_vreg.scatter [tilespmem:s8], [sflag:$0x1], $0x80, v3, vm0, $0xb8;
	[tilespmem:$0x10100] =	vst v63  }
0x4c: {  	v3 =	vld [tilespmem:$0x20];
	_ =	sdelay $0x4  }
0x4d: {  	v58 =	vshll.u32 v3, $0x3  }
0x4e: {  	v3 =	vand.u32 $0x7, v3;
	v4 =	vand.u32 $0xFFFFFFC0, v58  }
0x4f: {  	v3 =	vor.u32 v3, v4  }
0x50: {  	v4 =	vperm.xlane v3, v0;
	_ =	sdelay $0x1  }
0x51: {  	v4 =	vadd.s32 v1, v4;
	_ =	sdelay $0x4  }
0x52: {  	[hbm4b:s3+s2] =	stream.indirect_vreg.scatter [tilespmem:s10], [sflag:$0x1], $0x80, v4, vm0, $0xb8;
	[tilespmem:$0x10100] =	vst v63  }
0x53: {  	v3 =	vperm.xlane v3, v2  }
0x54: {  	[hbm4b:s4+s2] =	stream.indirect_vreg.scatter [tilespmem:s11], [sflag:$0x1], $0x80, v4, vm0, $0xb8;
	[tilespmem:$0x10100] =	vst v63  }
0x55: {  	v3 =	vadd.s32 v1, v3  }
0x56: {  	[hbm4b:s5+s2] =	stream.indirect_vreg.scatter [tilespmem:s12], [sflag:$0x1], $0x80, v4, vm0, $0xb8;
	[tilespmem:$0x10100] =	vst v63  }
0x57: {  	_ = 	snop  }
0x58: {  	[hbm4b:s6+s2] =	stream.indirect_vreg.scatter [tilespmem:s13], [sflag:$0x1], $0x80, v4, vm0, $0xb8;
	[tilespmem:$0x10100] =	vst v63  }
0x59: {  	_ = 	snop  }
0x5a: {  	[hbm4b:s3+s2] =	stream.indirect_vreg.scatter [tilespmem:s14], [sflag:$0x1], $0x80, v3, vm0, $0xb8;
	[tilespmem:$0x10100] =	vst v63  }
0x5b: {  	_ = 	snop  }
0x5c: {  	[hbm4b:s4+s2] =	stream.indirect_vreg.scatter [tilespmem:s15], [sflag:$0x1], $0x80, v3, vm0, $0xb8;
	[tilespmem:$0x10100] =	vst v63  }
0x5d: {  	_ = 	snop  }
0x5e: {  	[hbm4b:s5+s2] =	stream.indirect_vreg.scatter [tilespmem:s16], [sflag:$0x1], $0x80, v3, vm0, $0xb8;
	[tilespmem:$0x10100] =	vst v63  }
0x5f: {  	_ = 	snop  }
0x60: {  	[hbm4b:s6+s2] =	stream.indirect_vreg.scatter [tilespmem:s17], [sflag:$0x1], $0x80, v3, vm0, $0xb8;
	[tilespmem:$0x10100] =	vst v63  }
0x61: {  	v3 =	vld [tilespmem:$0x30];
	_ =	sdelay $0x4  }
0x62: {  	v59 =	vshll.u32 v3, $0x3  }
0x63: {  	v3 =	vand.u32 $0x7, v3;
	v4 =	vand.u32 $0xFFFFFFC0, v59  }
0x64: {  	v3 =	vor.u32 v3, v4  }
0x65: {  	v4 =	vperm.xlane v3, v0;
	_ =	sdelay $0x1  }
0x66: {  	v4 =	vadd.s32 v1, v4;
	_ =	sdelay $0x3  }
0x67: {  	s8 =	simm.s32 $0xC100  }
0x68: {  	[hbm4b:s3+s2] =	stream.indirect_vreg.scatter [tilespmem:s8], [sflag:$0x1], $0x80, v4, vm0, $0xb8;
	[tilespmem:$0x10100] =	vst v63  }
0x69: {  	s1 =	simm.s32 $0xC900;
	v3 =	vperm.xlane v3, v2  }
0x6a: {  	[hbm4b:s4+s2] =	stream.indirect_vreg.scatter [tilespmem:s1], [sflag:$0x1], $0x80, v4, vm0, $0xb8;
	[tilespmem:$0x10100] =	vst v63  }
0x6b: {  	v3 =	vadd.s32 v1, v3;
	s1 =	simm.s32 $0xD100  }
0x6c: {  	[hbm4b:s5+s2] =	stream.indirect_vreg.scatter [tilespmem:s1], [sflag:$0x1], $0x80, v4, vm0, $0xb8;
	[tilespmem:$0x10100] =	vst v63  }
0x6d: {  	s1 =	simm.s32 $0xD900  }
0x6e: {  	[hbm4b:s6+s2] =	stream.indirect_vreg.scatter [tilespmem:s1], [sflag:$0x1], $0x80, v4, vm0, $0xb8;
	[tilespmem:$0x10100] =	vst v63  }
0x6f: {  	s1 =	simm.s32 $0xE100  }
0x70: {  	[hbm4b:s3+s2] =	stream.indirect_vreg.scatter [tilespmem:s1], [sflag:$0x1], $0x80, v3, vm0, $0xb8;
	[tilespmem:$0x10100] =	vst v63  }
0x71: {  	s1 =	simm.s32 $0xE900  }
0x72: {  	[hbm4b:s4+s2] =	stream.indirect_vreg.scatter [tilespmem:s1], [sflag:$0x1], $0x80, v3, vm0, $0xb8;
	[tilespmem:$0x10100] =	vst v63  }
0x73: {  	s1 =	simm.s32 $0xF100  }
0x74: {  	[hbm4b:s5+s2] =	stream.indirect_vreg.scatter [tilespmem:s1], [sflag:$0x1], $0x80, v3, vm0, $0xb8;
	[tilespmem:$0x10100] =	vst v63  }
0x75: {  	s1 =	simm.s32 $0xF900  }
0x76: {  	[hbm4b:s6+s2] =	stream.indirect_vreg.scatter [tilespmem:s1], [sflag:$0x1], $0x80, v3, vm0, $0xb8;
	[tilespmem:$0x10100] =	vst v63  }
0x77: {  	v3 =	vld [tilespmem:$0x80];
	_ =	sdelay $0x4  }
0x78: {  	v60 =	vshll.u32 v3, $0x3  }
0x79: {  	v3 =	vand.u32 $0x7, v3;
	v4 =	vand.u32 $0xFFFFFFC0, v60  }
0x7a: {  	v3 =	vor.u32 v3, v4  }
0x7b: {  	v4 =	vperm.xlane v3, v0;
	_ =	sdelay $0x1  }
0x7c: {  	v4 =	vadd.s32 v1, v4;
	_ =	sdelay $0x4  }
0x7d: {  	[hbm4b:s3+s2] =	stream.indirect_vreg.scatter [tilespmem:s0], [sflag:$0x1], $0x80, v4, vm0, $0xb8;
	[tilespmem:$0x10100] =	vst v63  }
0x7e: {  	v3 =	vperm.xlane v3, v2  }
0x7f: {  	[hbm4b:s4+s2] =	stream.indirect_vreg.scatter [tilespmem:s18], [sflag:$0x1], $0x80, v4, vm0, $0xb8;
	[tilespmem:$0x10100] =	vst v63  }
0x80: {  	v3 =	vadd.s32 v1, v3  }
0x81: {  	[hbm4b:s5+s2] =	stream.indirect_vreg.scatter [tilespmem:s19], [sflag:$0x1], $0x80, v4, vm0, $0xb8;
	[tilespmem:$0x10100] =	vst v63  }
0x82: {  	_ = 	snop  }
0x83: {  	[hbm4b:s6+s2] =	stream.indirect_vreg.scatter [tilespmem:s20], [sflag:$0x1], $0x80, v4, vm0, $0xb8;
	[tilespmem:$0x10100] =	vst v63  }
0x84: {  	_ = 	snop  }
0x85: {  	[hbm4b:s3+s2] =	stream.indirect_vreg.scatter [tilespmem:s21], [sflag:$0x1], $0x80, v3, vm0, $0xb8;
	[tilespmem:$0x10100] =	vst v63  }
0x86: {  	_ = 	snop  }
0x87: {  	[hbm4b:s4+s2] =	stream.indirect_vreg.scatter [tilespmem:s22], [sflag:$0x1], $0x80, v3, vm0, $0xb8;
	[tilespmem:$0x10100] =	vst v63  }
0x88: {  	_ = 	snop  }
0x89: {  	[hbm4b:s5+s2] =	stream.indirect_vreg.scatter [tilespmem:s23], [sflag:$0x1], $0x80, v3, vm0, $0xb8;
	[tilespmem:$0x10100] =	vst v63  }
0x8a: {  	_ = 	snop  }
0x8b: {  	[hbm4b:s6+s2] =	stream.indirect_vreg.scatter [tilespmem:s24], [sflag:$0x1], $0x80, v3, vm0, $0xb8;
	[tilespmem:$0x10100] =	vst v63  }
0x8c: {  	v3 =	vld [tilespmem:$0x90];
	_ =	sdelay $0x4  }
0x8d: {  	v61 =	vshll.u32 v3, $0x3  }
0x8e: {  	v3 =	vand.u32 $0x7, v3;
	v4 =	vand.u32 $0xFFFFFFC0, v61  }
0x8f: {  	v3 =	vor.u32 v3, v4  }
0x90: {  	v4 =	vperm.xlane v3, v0;
	_ =	sdelay $0x1  }
0x91: {  	v4 =	vadd.s32 v1, v4;
	_ =	sdelay $0x4  }
0x92: {  	[hbm4b:s3+s2] =	stream.indirect_vreg.scatter [tilespmem:s25], [sflag:$0x1], $0x80, v4, vm0, $0xb8;
	[tilespmem:$0x10100] =	vst v63  }
0x93: {  	v3 =	vperm.xlane v3, v2  }
0x94: {  	[hbm4b:s4+s2] =	stream.indirect_vreg.scatter [tilespmem:s26], [sflag:$0x1], $0x80, v4, vm0, $0xb8;
	[tilespmem:$0x10100] =	vst v63  }
0x95: {  	v3 =	vadd.s32 v1, v3  }
0x96: {  	[hbm4b:s5+s2] =	stream.indirect_vreg.scatter [tilespmem:s28], [sflag:$0x1], $0x80, v4, vm0, $0xb8;
	[tilespmem:$0x10100] =	vst v63  }
0x97: {  	_ = 	snop  }
0x98: {  	[hbm4b:s6+s2] =	stream.indirect_vreg.scatter [tilespmem:s29], [sflag:$0x1], $0x80, v4, vm0, $0xb8;
	[tilespmem:$0x10100] =	vst v63  }
0x99: {  	_ = 	snop  }
0x9a: {  	[hbm4b:s3+s2] =	stream.indirect_vreg.scatter [tilespmem:s30], [sflag:$0x1], $0x80, v3, vm0, $0xb8;
	[tilespmem:$0x10100] =	vst v63  }
0x9b: {  	_ = 	snop  }
0x9c: {  	[hbm4b:s4+s2] =	stream.indirect_vreg.scatter [tilespmem:s31], [sflag:$0x1], $0x80, v3, vm0, $0xb8;
	[tilespmem:$0x10100] =	vst v63  }
0x9d: {  	s20 =	simm.s32 $0x7100  }
0x9e: {  	[hbm4b:s5+s2] =	stream.indirect_vreg.scatter [tilespmem:s20], [sflag:$0x1], $0x80, v3, vm0, $0xb8;
	[tilespmem:$0x10100] =	vst v63  }
0x9f: {  	s18 =	simm.s32 $0x7900  }
0xa0: {  	[hbm4b:s6+s2] =	stream.indirect_vreg.scatter [tilespmem:s18], [sflag:$0x1], $0x80, v3, vm0, $0xb8;
	[tilespmem:$0x10100] =	vst v63  }
0xa1: {  	v3 =	vld [tilespmem:$0xA0];
	_ =	sdelay $0x4  }
0xa2: {  	v62 =	vshll.u32 v3, $0x3  }
0xa3: {  	v3 =	vand.u32 $0x7, v3;
	v4 =	vand.u32 $0xFFFFFFC0, v62  }
0xa4: {  	v3 =	vor.u32 v3, v4  }
0xa5: {  	v4 =	vperm.xlane v3, v0;
	_ =	sdelay $0x1  }
0xa6: {  	v4 =	vadd.s32 v1, v4;
	_ =	sdelay $0x4  }
0xa7: {  	[hbm4b:s3+s2] =	stream.indirect_vreg.scatter [tilespmem:s10], [sflag:$0x1], $0x80, v4, vm0, $0xb8;
	[tilespmem:$0x10100] =	vst v63  }
0xa8: {  	v3 =	vperm.xlane v3, v2  }
0xa9: {  	[hbm4b:s4+s2] =	stream.indirect_vreg.scatter [tilespmem:s11], [sflag:$0x1], $0x80, v4, vm0, $0xb8;
	[tilespmem:$0x10100] =	vst v63  }
0xaa: {  	v3 =	vadd.s32 v1, v3  }
0xab: {  	[hbm4b:s5+s2] =	stream.indirect_vreg.scatter [tilespmem:s12], [sflag:$0x1], $0x80, v4, vm0, $0xb8;
	[tilespmem:$0x10100] =	vst v63  }
0xac: {  	_ = 	snop  }
0xad: {  	[hbm4b:s6+s2] =	stream.indirect_vreg.scatter [tilespmem:s13], [sflag:$0x1], $0x80, v4, vm0, $0xb8;
	[tilespmem:$0x10100] =	vst v63  }
0xae: {  	_ = 	snop  }
0xaf: {  	[hbm4b:s3+s2] =	stream.indirect_vreg.scatter [tilespmem:s14], [sflag:$0x1], $0x80, v3, vm0, $0xb8;
	[tilespmem:$0x10100] =	vst v63  }
0xb0: {  	_ = 	snop  }
0xb1: {  	[hbm4b:s4+s2] =	stream.indirect_vreg.scatter [tilespmem:s15], [sflag:$0x1], $0x80, v3, vm0, $0xb8;
	[tilespmem:$0x10100] =	vst v63  }
0xb2: {  	_ = 	snop  }
0xb3: {  	[hbm4b:s5+s2] =	stream.indirect_vreg.scatter [tilespmem:s16], [sflag:$0x1], $0x80, v3, vm0, $0xb8;
	[tilespmem:$0x10100] =	vst v63  }
0xb4: {  	_ = 	snop  }
0xb5: {  	[hbm4b:s6+s2] =	stream.indirect_vreg.scatter [tilespmem:s17], [sflag:$0x1], $0x80, v3, vm0, $0xb8;
	[tilespmem:$0x10100] =	vst v63  }
0xb6: {  	v3 =	vld [tilespmem:$0xB0];
	_ =	sdelay $0x4  }
0xb7: {  	v63 =	vshll.u32 v3, $0x3  }
0xb8: {  	v3 =	vand.u32 $0x7, v3;
	v4 =	vand.u32 $0xFFFFFFC0, v63  }
0xb9: {  	v3 =	vor.u32 v3, v4  }
0xba: {  	v4 =	vperm.xlane v3, v0;
	_ =	sdelay $0x1  }
0xbb: {  	v4 =	vadd.s32 v1, v4;
	_ =	sdelay $0x4  }
0xbc: {  	[hbm4b:s3+s2] =	stream.indirect_vreg.scatter [tilespmem:s8], [sflag:$0x1], $0x80, v4, vm0, $0xb8;
	[tilespmem:$0x10100] =	vst v63  }
0xbd: {  	s19 =	simm.s32 $0xC900;
	v3 =	vperm.xlane v3, v2  }
0xbe: {  	[hbm4b:s4+s2] =	stream.indirect_vreg.scatter [tilespmem:s19], [sflag:$0x1], $0x80, v4, vm0, $0xb8;
	[tilespmem:$0x10100] =	vst v63  }
0xbf: {  	s20 =	simm.s32 $0xD100;
	v3 =	vadd.s32 v1, v3  }
0xc0: {  	[hbm4b:s5+s2] =	stream.indirect_vreg.scatter [tilespmem:s20], [sflag:$0x1], $0x80, v4, vm0, $0xb8;
	[tilespmem:$0x10100] =	vst v63  }
0xc1: {  	s8 =	simm.s32 $0xD900  }
0xc2: {  	[hbm4b:s6+s2] =	stream.indirect_vreg.scatter [tilespmem:s8], [sflag:$0x1], $0x80, v4, vm0, $0xb8;
	[tilespmem:$0x10100] =	vst v63  }
0xc3: {  	s18 =	simm.s32 $0xE100  }
0xc4: {  	[hbm4b:s3+s2] =	stream.indirect_vreg.scatter [tilespmem:s18], [sflag:$0x1], $0x80, v3, vm0, $0xb8;
	[tilespmem:$0x10100] =	vst v63  }
0xc5: {  	s19 =	simm.s32 $0xE900  }
0xc6: {  	[hbm4b:s4+s2] =	stream.indirect_vreg.scatter [tilespmem:s19], [sflag:$0x1], $0x80, v3, vm0, $0xb8;
	[tilespmem:$0x10100] =	vst v63  }
0xc7: {  	s20 =	simm.s32 $0xF100  }
0xc8: {  	[hbm4b:s5+s2] =	stream.indirect_vreg.scatter [tilespmem:s20], [sflag:$0x1], $0x80, v3, vm0, $0xb8;
	[tilespmem:$0x10100] =	vst v63  }
0xc9: {  	s1 =	simm.s32 $0xF900  }
0xca: {  	[hbm4b:s6+s2] =	stream.indirect_vreg.scatter [tilespmem:s1], [sflag:$0x1], $0x80, v3, vm0, $0xb8;
	[tilespmem:$0x10100] =	vst v63  }
0xcb: {  	p0 =	sne.s32 s7, $0x1;
	_ =	swait.ge [sflag:s9], $0x10000  }
.Ltmp0:
0xcc: {  	[sflag:s9] =	ssyncset.done $0x0;
	(pc) =	sbr.rel @p0 .LBB2_1-.Ltmp0, $4  }
0xcd: {  	[sflag:s9] =	ssyncadd.s32 $0xFFFF0000  }
0xce: {  	_ =	swait.ge [sflag:s9], $0x10000  }
0xcf: {  	[sflag:s9] =	ssyncset.done $0x0  }
0xd0: {  	s7 =	sadd.s32 $0xFFFFFFFF, s7;
	[sflag:s9] =	ssyncadd.s32 $0xFFFF0000  }
0xd1: {  	_ =	sfence.sel $0x180000  }
0xd2: {  	[bflag:$0x0] =	sbarrier.arrive $0xFFFF  }
0xd3: {  	_ =	strace $0x90000047  }
0xd4: {  	s0 =	stileid.u32;
	[bflag:$0x2] =	sbarrier.arrive $0xFFFF  }
0xd5: {  	p0 =	sne.s32 s0, $0x0;
	s0 =	rddreg [dreg:$0x2]  }
0xd6: {  	s0 =	sadd.s32 @!p0 $0x100000, s0  }
0xd7: {  	[sflag:s0] =	ssyncadd.tile.s32 @!p0 $0x1;
	_ =	shalt  }
.Lfunc_end2:
_tile_overlayer_lowered:
.L_overlay_start_2:
0xd8: {  	(tag) =	ssettag $0x2  }
0xd9: {  	s0 =	rddreg [dreg:$0x0];
	s2 =	stileid.u32  }
0xda: {  	s1 =	rddreg [dreg:$0x1];
	p0 =	sne.s32 s2, $0x0  }
0xdb: {  	s3 =	rddreg [dreg:$0x2];
	[bflag:$0x3] =	sbarrier.arrive $0xFFFF;
	s2 =	simm.s32 @!p0 $0x1C02  }
0xdc: {  	[timem:s3], [sflag:s2] =	dma.local @!p0 [hbm:s0], s1  }
0xdd: {  	s0 =	simm.s32 @!p0 $0x2  }
0xde: {  	_ =	swait.ge @!p0 [sflag:s0], s1  }
0xdf: {  	s1 =	ssub.s32 @!p0 $0x0, s1;
	[sflag:s0] =	ssyncset.done @!p0 $0x0  }
0xe0: {  	[sflag:s0] =	ssyncadd.s32 @!p0 s1  }
0xe1: {  	[bflag:$0x3] =	sbarrier.arrive $0xFFFF  }
0xe2: {  	_ =	shalt  }

// kernel: kernel.9.cloned.1.call-start
scs
__scs_entry_jumppad:
0x0: {  	(pc) =	sbr.rel $0x88, $3  }
0x1: {  	(tag) =	ssettag $0x0;
	lr =	simm.s32 $0x1  }
0x2: {  	[smem:$0x3F97] =	sst lr;
	_ =	strace $0xD0000000  }
0x3: {  	_ = 	snop  }
0x4: {  	_ = 	snop  }
0x5: {  	_ = 	snop  }
0x6: {  	_ = 	snop  }
0x7: {  	_ = 	snop  }
__scs_overlays_trampoline_lowered:
0x8: {  	[smem:$0x3FA6] =	sst s0  }
0x9: {  	[smem:$0x3FA7] =	sst s1  }
0xa: {  	[smem:$0x3FA8] =	sst s2  }
0xb: {  	[smem:$0x3FA9] =	sst s3  }
0xc: {  	[smem:$0x3FAA] =	sst s4  }
0xd: {  	[smem:$0x3FAB] =	sst s5  }
0xe: {  	[smem:$0x3FAC] =	sst s6  }
0xf: {  	[smem:$0x3FAD] =	sst s7  }
0x10: {  	[smem:$0x3FAE] =	sst s8  }
0x11: {  	[smem:$0x3FAF] =	sst s9;
	s0 =	simm.s32 @!p0 $0x0  }
0x12: {  	s1 =	sld [smem:$0x3F95];
	s0 =	simm.s32 @p0 $0x1  }
0x13: {  	[smem:$0x3FB0] =	sst s0;
	s0 =	simm.s32 @!p1 $0x0  }
0x14: {  	s2 =	sld [smem:$0x3F94];
	s0 =	simm.s32 @p1 $0x1  }
0x15: {  	[smem:$0x3FB1] =	sst s0;
	s0 =	simm.s32 @!p2 $0x0  }
0x16: {  	s3 =	sld [smem:$0x3FDB];
	s0 =	simm.s32 @p2 $0x1  }
0x17: {  	s4 =	simm.s32 $0x1BF5;
	[smem:$0x3FB3] =	sst s0  }
0x18: {  	s0 =	sld [smem:$0x3F96];
	_ =	swait.ge [sflag:s4], $0x0  }
0x19: {  	s7 =	sld [smem:$0x3F97]  }
0x1a: {  	s8 =	sadd.s32 $0xFFFFE003, lr  }
0x1b: {  	s9 =	sadd.s32 $0xFFFFFEF7, lr;
	s5 =	simm.s32 $0xFFFFFFFF;
	p2 =	slt.u32 s8, $0xFFFFF086  }
0x1c: {  	p1 =	slt.u32 s9, $0xF7A;
	s5 =	simm.s32 @!p2 $0x0  }
0x1d: {  	s5 =	simm.s32 @p1 $0x1;
	p0 =	seq.s32 s7, s2  }
0x1e: {  	s7 =	smul.u32 @!p0 $0xF7A, s2;
	p2 =	seq.s32 @!p0 s5, $0x0  }
0x1f: {  	s9 =	smul.u32 $0xF7A, s1;
	s8 =	simm.s32 @!p0 $0x1BF5;
	p2 =	por !p2, p0  }
0x20: {  	[sflag:s8] =	ssyncset.s32 @!p0 $0xFFFFF086;
	s6 =	sadd.s32 @!p0 s3, s7;
	s7 =	simm.s32 @!p0 $0x108  }
0x21: {  	s3 =	sadd.s32 s3, s9;
	s6 =	sadd.s32 @!p0 $0x88, s6;
	s7 =	simm.s32 @p2 $0x1082  }
0x22: {  	[simem:s7], [sflag:s8] =	dma.local @!p0 [hbm:s6], $0xF7A  }
0x23: {  	s9 =	sor.u32 $0xD0000000, s2;
	s6 =	simm.s32 $0x108;
	_ =	swait.ge @!p0 [sflag:s8], $0x0  }
0x24: {  	s3 =	sadd.s32 $0x88, s3;
	s6 =	simm.s32 @!p1 $0x1082;
	[sflag:s4] =	ssyncset.s32 $0xFFFFF086  }
0x25: {  	[simem:s6], [sflag:s4] =	dma.local [hbm:s3], $0xF7A  }
0x26: {  	[smem:$0x3F97] =	sst s1;
	(tag) =	ssettag s2;
	_ =	strace s9  }
0x27: {  	s1 =	sld [smem:$0x3FA7]  }
0x28: {  	s2 =	sld [smem:$0x3FA8]  }
0x29: {  	s4 =	sld [smem:$0x3FAA]  }
0x2a: {  	p0 =	seq.s32 s5, $0x0;
	s5 =	sld [smem:$0x3FAB]  }
0x2b: {  	s6 =	sld [smem:$0x3FAC]  }
0x2c: {  	s7 =	sld [smem:$0x3FAD]  }
0x2d: {  	s3 =	simm.s32 $0x108;
	s8 =	sld [smem:$0x3FAE]  }
0x2e: {  	s3 =	simm.s32 @!p0 $0x1082;
	s9 =	sld [smem:$0x3FAF]  }
0x2f: {  	lr =	sadd.s32 s0, s3;
	s0 =	sld [smem:$0x3FA6]  }
0x30: {  	s3 =	sld [smem:$0x3FA9]  }
0x31: {  	[smem:$0x3FB2] =	sst s10  }
0x32: {  	s10 =	sld [smem:$0x3FB0];
	_ =	sdelay $0x3  }
0x33: {  	p0 =	seq.s32 s10, $0x1;
	s10 =	sld [smem:$0x3FB2];
	_ =	sdelay $0x3  }
0x34: {  	[smem:$0x3FB2] =	sst s10  }
0x35: {  	s10 =	sld [smem:$0x3FB1];
	_ =	sdelay $0x3  }
0x36: {  	p1 =	seq.s32 s10, $0x1;
	s10 =	sld [smem:$0x3FB2];
	_ =	sdelay $0x3  }
0x37: {  	[smem:$0x3FB2] =	sst s10  }
0x38: {  	s10 =	sld [smem:$0x3FB3]  }
0x39: {  	_ = 	snop;
	(pc) =	sbr.ind lr, $3  }
0x3a: {  	_ = 	snop  }
0x3b: {  	_ = 	snop  }
0x3c: {  	p2 =	seq.s32 s10, $0x1;
	s10 =	sld [smem:$0x3FB2]  }
0x3d: {  	_ =	shalt  }
0x3e: {  	_ =	shalt  }
0x3f: {  	_ =	shalt  }
0x40: {  	_ =	shalt  }
0x41: {  	_ =	shalt  }
0x42: {  	_ =	shalt  }
0x43: {  	_ =	shalt  }
0x44: {  	_ =	shalt  }
0x45: {  	_ =	shalt  }
0x46: {  	_ =	shalt  }
0x47: {  	_ =	shalt  }
0x48: {  	_ =	shalt  }
0x49: {  	_ =	shalt  }
0x4a: {  	_ =	shalt  }
0x4b: {  	_ =	shalt  }
0x4c: {  	_ =	shalt  }
0x4d: {  	_ =	shalt  }
0x4e: {  	_ =	shalt  }
0x4f: {  	_ =	shalt  }
0x50: {  	_ =	shalt  }
0x51: {  	_ =	shalt  }
0x52: {  	_ =	shalt  }
0x53: {  	_ =	shalt  }
0x54: {  	_ =	shalt  }
0x55: {  	_ =	shalt  }
0x56: {  	_ =	shalt  }
0x57: {  	_ =	shalt  }
0x58: {  	_ =	shalt  }
0x59: {  	_ =	shalt  }
0x5a: {  	_ =	shalt  }
0x5b: {  	_ =	shalt  }
0x5c: {  	_ =	shalt  }
0x5d: {  	_ =	shalt  }
0x5e: {  	_ =	shalt  }
0x5f: {  	_ =	shalt  }
0x60: {  	_ =	shalt  }
0x61: {  	_ =	shalt  }
0x62: {  	_ =	shalt  }
0x63: {  	_ =	shalt  }
0x64: {  	_ =	shalt  }
0x65: {  	_ =	shalt  }
0x66: {  	_ =	shalt  }
0x67: {  	_ =	shalt  }
0x68: {  	_ =	shalt  }
0x69: {  	_ =	shalt  }
0x6a: {  	_ =	shalt  }
0x6b: {  	_ =	shalt  }
0x6c: {  	_ =	shalt  }
0x6d: {  	_ =	shalt  }
0x6e: {  	_ =	shalt  }
0x6f: {  	_ =	shalt  }
0x70: {  	_ =	shalt  }
0x71: {  	_ =	shalt  }
0x72: {  	_ =	shalt  }
0x73: {  	_ =	shalt  }
0x74: {  	_ =	shalt  }
0x75: {  	_ =	shalt  }
0x76: {  	_ =	shalt  }
0x77: {  	_ =	shalt  }
0x78: {  	_ =	shalt  }
0x79: {  	_ =	shalt  }
0x7a: {  	_ =	shalt  }
0x7b: {  	_ =	shalt  }
0x7c: {  	_ =	shalt  }
0x7d: {  	_ =	shalt  }
0x7e: {  	_ =	shalt  }
0x7f: {  	_ =	shalt  }
0x80: {  	_ =	shalt  }
0x81: {  	_ =	shalt  }
0x82: {  	_ =	shalt  }
0x83: {  	_ =	shalt  }
0x84: {  	_ =	shalt  }
0x85: {  	_ =	shalt  }
0x86: {  	_ =	shalt  }
0x87: {  	_ =	shalt  }
.Lfunc_end0:
.L_simem_size_0:
called_computation.1_lowered:
.L_overlay_start_0:
0x88: {  	s2 =	sld [smem:$0x3FD9]  }
0x89: {  	s3 =	sld [smem:$0x3FFE];
	_ =	sdelay $0x1  }
0x8a: {  	s1 =	srdreg.scid  }
0x8b: {  	s0 =	sand.u32 $0x1, s1  }
0x8c: {  	s14 =	sshll.u32 s0, $0xA;
	s2 =	sadd.s32 s3, s2  }
0x8d: {  	s2 =	sadd.s32 s2, s14  }
0x8e: {  	[smem:$0x3FBE] =	sst s2  }
0x8f: {  	_ = 	snop  }
0x90: {  	s2 =	sld [smem:$0x3FD0];
	_ =	sdelay $0x2  }
0x91: {  	s15 =	simm.s32 $0xA;
	s4 =	simm.s32 $0x10  }
0x92: {  	[smem:s4], [sflag:s15] =	dma.local [hbm:s2], $0x1  }
0x93: {  	_ =	swait.eq [sflag:s15], $0x1  }
0x94: {  	[sflag:s15] =	ssyncset.done $0x0  }
0x95: {  	[sflag:s15] =	ssyncadd.s32 $0xFFFFFFFF  }
0x96: {  	s16 =	sld [smem:$0x10];
	(tm) =	ssettm $0x1  }
0x97: {  	s17 =	sld [smem:$0x3FFB];
	_ =	sdelay $0x3  }
0x98: {  	_ =	strace s17  }
0x99: {  	s3 =	sld [smem:$0x3FFC];
	_ =	sdelay $0x3  }
0x9a: {  	_ =	strace s3  }
0x9b: {  	s3 =	sld [smem:$0x3FFD];
	_ =	sdelay $0x3  }
0x9c: {  	_ =	strace s3  }
0x9d: {  	_ =	strace $0x8FFFFFFF  }
0x9e: {  	s18 =	sld [smem:$0x3FDB];
	_ =	sdelay $0x1  }
0x9f: {  	s19 =	simm.s32 $_scs_section_size  }
0xa0: {  	s5 =	simm.s32 $_size__tile_overlayer_lowered;
	s6 =	simm.s32 $_tile_overlayer_lowered  }
0xa1: {  	s22 =	simm.s32 $0x1BFF;
	s21 =	sshll.u32 s6, $0x1;
	s3 =	sadd.s32 s19, s18  }
0xa2: {  	s7 =	simm.s32 $0x0;
	s20 =	sshll.u32 s5, $0x1;
	s5 =	sadd.s32 s21, s3  }
0xa3: {  	[timem:s7], [sflag:s22] =	dma.local [hbm:s5], s20  }
0xa4: {  	_ =	swait.ge [sflag:s22], s20  }
0xa5: {  	s4 =	ssub.s32 $0x0, s20;
	[sflag:s22] =	ssyncset.done $0x0  }
0xa6: {  	[sflag:s22] =	ssyncadd.s32 s4;
	_ =	sdelay $0x1  }
0xa7: {  	s23 =	simm.s32 $0x1B8B  }
0xa8: {  	_ =	swait.ge [sflag:s23], $0x1  }
0xa9: {  	[sflag:s23] =	ssyncset.done $0x0  }
0xaa: {  	s25 =	simm.s32 $0x1B8E;
	s24 =	sld [smem:$0x3FFE];
	[sflag:s23] =	ssyncadd.s32 $0xFFFFFFFF  }
0xab: {  	s26 =	simm.s32 $execute0_lowered;
	[smem:$0x3FD2] =	sst s25  }
0xac: {  	s5 =	sshll.u32 s26, $0x1;
	_ =	strace $0x80000049;
	[dreg:$0x1] =	wrdreg $0xFFFFFFFF  }
0xad: {  	s28 =	simm.s32 $_size_execute0_lowered;
	s3 =	sadd.s32 s3, s5;
	[dreg:$0x0] =	wrdreg $0x0  }
0xae: {  	s5 =	sshll.u32 s28, $0x1;
	[dreg:$0x2] =	wrdreg s3  }
0xaf: {  	[dreg:$0x3] =	wrdreg s5  }
0xb0: {  	[dreg:$0x4] =	wrdreg $0xC0  }
0xb1: {  	_ =	task [dreg:s7], $0x5FFFF  }
0xb2: {  	[dreg:$0x1] =	wrdreg $0xFFFFFFFF  }
0xb3: {  	[dreg:$0x0] =	wrdreg $0x60  }
0xb4: {  	[dreg:$0x2] =	wrdreg s24  }
0xb5: {  	[dreg:$0x3] =	wrdreg s16  }
0xb6: {  	[dreg:$0x4] =	wrdreg $0x9  }
0xb7: {  	_ =	task.clear_ibuf [dreg:s7], $0x5FFFF;
	_ =	strace $0x90000049  }
0xb8: {  	s29 =	simm.s32 $0x9;
	_ =	strace $0x8000004B  }
0xb9: {  	_ =	swait.ge [sflag:s29], $0x1  }
0xba: {  	[sflag:s29] =	ssyncadd.s32 $0xFFFFFFFF  }
0xbb: {  	_ =	strace $0x9000004B  }
0xbc: {  	_ =	sfence  }
0xbd: {  	s30 =	sld [smem:$0x0];
	_ =	sdelay $0x2  }
0xbe: {  	s31 =	sshll.u32 s1, $0xD;
	s1 =	sshrl.u32 s1, $0x2  }
0xbf: {  	s3 =	sand.u32 $0x4000, s31;
	s1 =	sadd.s32 s1, s30  }
0xc0: {  	s0 =	sor.u32 s3, s0;
	s1 =	sshll.u32 s1, $0x11  }
0xc1: {  	s0 =	sor.u32 s1, s0  }
0xc2: {  	s0 =	sadd.s32 $0x8F2B, s0  }
0xc3: {  	[sflag:s0] =	ssyncadd.remote.s32 $0x1  }
0xc4: {  	_ =	sfence.sel $0xFFFF  }
0xc5: {  	[dreg:$0x0] =	wrdreg $0xFFFFFFFF;
	(pc) =	sbr.abs _section_cstart, $3  }
0xc6: {  	[dreg:$0x1] =	wrdreg $0xFFFFFFFF  }
0xc7: {  	_ =	task.clear_ibuf [dreg:s7], $0x2FFFF;
	_ =	strace $0x9FFFFFFF  }
0xc8: {  	(tm) =	ssettm $0x7FFFFFFF  }
0xc9: {  	_ =	shalt  }
tec
execute0_lowered:
.L_overlay_start_1:
0x0: {  	(tag) =	ssettag $0x1  }
0x1: {  	s0 =	rddreg [dreg:$0x0];
	s1 =	srdreg.scid;
	s3 =	simm.s32 $0x0  }
0x2: {  	s2 =	stileid.u32;
	s17 =	simm.s32 $0x1;
	s8 =	simm.s32 $0xE100  }
0x3: {  	s9 =	simm.s32 $0xE900;
	s13 =	simm.s32 $0xF100;
	s18 =	simm.s32 $0x10100  }
0x4: {  	s19 =	simm.s32 $0x10900;
	s20 =	simm.s32 $0x11100;
	s21 =	simm.s32 $0x11900  }
0x5: {  	s22 =	simm.s32 $0x12100;
	s23 =	simm.s32 $0x12900;
	s24 =	simm.s32 $0x13100  }
0x6: {  	s25 =	simm.s32 $0x13900;
	s28 =	simm.s32 $0x2;
	s1 =	sand.u32 $0x1, s1  }
0x7: {  	[smem:$0x7FF] =	sst s3;
	s2 =	sshll.u32 s2, $0x7;
	s4 =	sadd.s32 $0x11600, s0  }
0x8: {  	s10 =	sadd.s32 $0x11700, s0;
	s5 =	sshll.u32 s1, $0x6;
	s1 =	ssub.s32 $0x2, s1  }
0x9: {  	s11 =	sadd.s32 $0x11800, s0;
	s5 =	sor.u32 s5, s2;
	s7 =	sshrl.u32 s1, $0x1  }
0xa: {  	s12 =	sadd.s32 $0x11900, s0;
	s2 =	sshrl.u32 s5, $0x3;
	s1 =	ssub.s32 s1, s7  }
0xb: {  	_ =	strace $0x8000004A;
	s2 =	sadd.s32 s2, s0;
	s31 =	smax.u32 s1, $0x1  }
0xc: {  	s6 =	sshll.u32 s5, $0x4;
	s26 =	sadd.s32 $0x11200, s2;
	[dreg:$0x7] =	wrdreg s31  }
0xd: {  	s6 =	sadd.s32 s6, s0;
	s2 =	sadd.s32 $0x11400, s2;
	[dreg:$0x3] =	wrdreg s26  }
0xe: {  	v2 =	vlaneseq.u32;
	s7 =	simm.s32 $0xD900;
	s29 =	sadd.s32 $0x1200, s6;
	[dreg:$0x4] =	wrdreg s2  }
0xf: {  	vm0 =	vmmov $0xffff;
	v1 =	vshrl.u32 v2, $0x3;
	s1 =	simm.s32 $0x0;
	s30 =	sadd.s32 $0x9200, s6;
	[dreg:$0x5] =	wrdreg s29  }
0x10: {  	v0 =	vand.u32 $0x7, v2;
	v2 =	vor.u32 $0x8, v2;
	v1 =	vmul.u32 $0x8, v1;
	[dreg:$0x6] =	wrdreg s30;
	s2 =	simm.s32 $0xF900;
	s26 =	simm.s32 $0x14100  }
.LBB2_1:
0x11: {  	[dreg:$0x8] =	wrdreg s1  }
0x12: {  	s0 =	rddreg [dreg:$0x3]  }
0x13: {  	[tilespmem:s3], [sflag:$0x1] =	stream.linear.gather [hbm4b:s0+s3], $0x40, $0x38;
	[tilespmem:$0x1C100] =	vst v63  }
0x14: {  	s6 =	rddreg [dreg:$0x4];
	s14 =	simm.s32 $0x80  }
0x15: {  	[tilespmem:s14], [sflag:$0x1] =	stream.linear.gather [hbm4b:s6+s3], $0x40, $0x38;
	[tilespmem:$0x1C100] =	vst v63  }
0x16: {  	s15 =	rddreg [dreg:$0x5];
	s16 =	simm.s32 $0x100  }
0x17: {  	[tilespmem:s16], [sflag:$0x1] =	stream.linear.gather [hbm4b:s15+s3], $0x2000, $0x38;
	[tilespmem:$0x1C100] =	vst v63  }
0x18: {  	s30 =	rddreg [dreg:$0x6];
	s31 =	simm.s32 $0x2100  }
0x19: {  	[tilespmem:s31], [sflag:$0x1] =	stream.linear.gather [hbm4b:s30+s3], $0x2000, $0x38;
	[tilespmem:$0x1C100] =	vst v63  }
0x1a: {  	_ =	swait.ge [sflag:s17], $0x40  }
0x1b: {  	[sflag:s17] =	ssyncset.done $0x0  }
0x1c: {  	[sflag:s17] =	ssyncadd.s32 $0xFFFFFFC0  }
0x1d: {  	_ =	swait.ge [sflag:s17], $0x40  }
0x1e: {  	[sflag:s17] =	ssyncset.done $0x0  }
0x1f: {  	[sflag:s17] =	ssyncadd.s32 $0xFFFFFFC0  }
0x20: {  	_ =	swait.ge [sflag:s17], $0x2000  }
0x21: {  	[sflag:s17] =	ssyncset.done $0x0  }
0x22: {  	[sflag:s17] =	ssyncadd.s32 $0xFFFFE000  }
0x23: {  	_ =	swait.ge [sflag:s17], $0x2000  }
0x24: {  	[sflag:s17] =	ssyncset.done $0x0  }
0x25: {  	p1 =	por $0x1, $0x1;
	s29 =	simm.s32 $0x0;
	[sflag:s17] =	ssyncadd.s32 $0xFFFFE000  }
.LBB2_2:
0x26: {  	v3 =	vld [tilespmem:s29+$0x0];
	_ =	sdelay $0x4  }
0x27: {  	v4 =	vshll.u32 v3, $0x3  }
0x28: {  	v3 =	vand.u32 $0x7, v3;
	v4 =	vand.u32 $0xFFFFFFC0, v4  }
0x29: {  	v3 =	vor.u32 v3, v4  }
0x2a: {  	v4 =	vperm.xlane v3, v0;
	_ =	sdelay $0x1  }
0x2b: {  	v4 =	vadd.s32 v1, v4;
	_ =	sdelay $0x3  }
0x2c: {  	s30 =	simm.s32 $0x0;
	s0 =	simm.s32 $0x4100  }
0x2d: {  	[tilespmem:s0], [sflag:$0x1] =	stream.indirect_vreg.gather [hbm4b:s4+s30], $0x80, v4, vm0, $0xb8;
	[tilespmem:$0x1C100] =	vst v63  }
0x2e: {  	s14 =	simm.s32 $0x4900;
	v3 =	vperm.xlane v3, v2  }
0x2f: {  	[tilespmem:s14], [sflag:$0x1] =	stream.indirect_vreg.gather [hbm4b:s10+s30], $0x80, v4, vm0, $0xb8;
	[tilespmem:$0x1C100] =	vst v63  }
0x30: {  	s15 =	simm.s32 $0x5100;
	v3 =	vadd.s32 v1, v3  }
0x31: {  	[tilespmem:s15], [sflag:$0x1] =	stream.indirect_vreg.gather [hbm4b:s11+s30], $0x80, v4, vm0, $0xb8;
	[tilespmem:$0x1C100] =	vst v63  }
0x32: {  	s16 =	simm.s32 $0x5900  }
0x33: {  	[tilespmem:s16], [sflag:$0x1] =	stream.indirect_vreg.gather [hbm4b:s12+s30], $0x80, v4, vm0, $0xb8;
	[tilespmem:$0x1C100] =	vst v63  }
0x34: {  	s1 =	simm.s32 $0x6100  }
0x35: {  	[tilespmem:s1], [sflag:$0x1] =	stream.indirect_vreg.gather [hbm4b:s4+s30], $0x80, v3, vm0, $0xb8;
	[tilespmem:$0x1C100] =	vst v63  }
0x36: {  	s6 =	simm.s32 $0x6900  }
0x37: {  	[tilespmem:s6], [sflag:$0x1] =	stream.indirect_vreg.gather [hbm4b:s10+s30], $0x80, v3, vm0, $0xb8;
	[tilespmem:$0x1C100] =	vst v63  }
0x38: {  	s14 =	simm.s32 $0x7100  }
0x39: {  	[tilespmem:s14], [sflag:$0x1] =	stream.indirect_vreg.gather [hbm4b:s11+s30], $0x80, v3, vm0, $0xb8;
	[tilespmem:$0x1C100] =	vst v63  }
0x3a: {  	s15 =	simm.s32 $0x7900  }
0x3b: {  	[tilespmem:s15], [sflag:$0x1] =	stream.indirect_vreg.gather [hbm4b:s12+s30], $0x80, v3, vm0, $0xb8;
	[tilespmem:$0x1C100] =	vst v63  }
0x3c: {  	v3 =	vld [tilespmem:s29+$0x10];
	_ =	sdelay $0x4  }
0x3d: {  	v61 =	vshll.u32 v3, $0x3  }
0x3e: {  	v3 =	vand.u32 $0x7, v3;
	v4 =	vand.u32 $0xFFFFFFC0, v61  }
0x3f: {  	v3 =	vor.u32 v3, v4  }
0x40: {  	v4 =	vperm.xlane v3, v0;
	_ =	sdelay $0x1  }
0x41: {  	v4 =	vadd.s32 v1, v4;
	_ =	sdelay $0x3  }
0x42: {  	s16 =	simm.s32 $0x8100  }
0x43: {  	[tilespmem:s16], [sflag:$0x1] =	stream.indirect_vreg.gather [hbm4b:s4+s30], $0x80, v4, vm0, $0xb8;
	[tilespmem:$0x1C100] =	vst v63  }
0x44: {  	s1 =	simm.s32 $0x8900;
	v3 =	vperm.xlane v3, v2  }
0x45: {  	[tilespmem:s1], [sflag:$0x1] =	stream.indirect_vreg.gather [hbm4b:s10+s30], $0x80, v4, vm0, $0xb8;
	[tilespmem:$0x1C100] =	vst v63  }
0x46: {  	s6 =	simm.s32 $0x9100;
	v3 =	vadd.s32 v1, v3  }
0x47: {  	[tilespmem:s6], [sflag:$0x1] =	stream.indirect_vreg.gather [hbm4b:s11+s30], $0x80, v4, vm0, $0xb8;
	[tilespmem:$0x1C100] =	vst v63  }
0x48: {  	s14 =	simm.s32 $0x9900  }
0x49: {  	[tilespmem:s14], [sflag:$0x1] =	stream.indirect_vreg.gather [hbm4b:s12+s30], $0x80, v4, vm0, $0xb8;
	[tilespmem:$0x1C100] =	vst v63  }
0x4a: {  	s15 =	simm.s32 $0xA100  }
0x4b: {  	[tilespmem:s15], [sflag:$0x1] =	stream.indirect_vreg.gather [hbm4b:s4+s30], $0x80, v3, vm0, $0xb8;
	[tilespmem:$0x1C100] =	vst v63  }
0x4c: {  	s16 =	simm.s32 $0xA900  }
0x4d: {  	[tilespmem:s16], [sflag:$0x1] =	stream.indirect_vreg.gather [hbm4b:s10+s30], $0x80, v3, vm0, $0xb8;
	[tilespmem:$0x1C100] =	vst v63  }
0x4e: {  	s1 =	simm.s32 $0xB100  }
0x4f: {  	[tilespmem:s1], [sflag:$0x1] =	stream.indirect_vreg.gather [hbm4b:s11+s30], $0x80, v3, vm0, $0xb8;
	[tilespmem:$0x1C100] =	vst v63  }
0x50: {  	s6 =	simm.s32 $0xB900  }
0x51: {  	[tilespmem:s6], [sflag:$0x1] =	stream.indirect_vreg.gather [hbm4b:s12+s30], $0x80, v3, vm0, $0xb8;
	[tilespmem:$0x1C100] =	vst v63  }
0x52: {  	v3 =	vld [tilespmem:s29+$0x80];
	_ =	sdelay $0x4  }
0x53: {  	v62 =	vshll.u32 v3, $0x3  }
0x54: {  	v3 =	vand.u32 $0x7, v3;
	v4 =	vand.u32 $0xFFFFFFC0, v62  }
0x55: {  	v3 =	vor.u32 v3, v4  }
0x56: {  	v4 =	vperm.xlane v3, v0;
	_ =	sdelay $0x1  }
0x57: {  	v4 =	vadd.s32 v1, v4;
	_ =	sdelay $0x3  }
0x58: {  	s14 =	simm.s32 $0xC100  }
0x59: {  	[tilespmem:s14], [sflag:$0x1] =	stream.indirect_vreg.gather [hbm4b:s4+s30], $0x80, v4, vm0, $0xb8;
	[tilespmem:$0x1C100] =	vst v63  }
0x5a: {  	s15 =	simm.s32 $0xC900;
	v3 =	vperm.xlane v3, v2  }
0x5b: {  	[tilespmem:s15], [sflag:$0x1] =	stream.indirect_vreg.gather [hbm4b:s10+s30], $0x80, v4, vm0, $0xb8;
	[tilespmem:$0x1C100] =	vst v63  }
0x5c: {  	s16 =	simm.s32 $0xD100;
	v3 =	vadd.s32 v1, v3  }
0x5d: {  	[tilespmem:s16], [sflag:$0x1] =	stream.indirect_vreg.gather [hbm4b:s11+s30], $0x80, v4, vm0, $0xb8;
	[tilespmem:$0x1C100] =	vst v63  }
0x5e: {  	_ = 	snop  }
0x5f: {  	[tilespmem:s7], [sflag:$0x1] =	stream.indirect_vreg.gather [hbm4b:s12+s30], $0x80, v4, vm0, $0xb8;
	[tilespmem:$0x1C100] =	vst v63  }
0x60: {  	_ = 	snop  }
0x61: {  	[tilespmem:s8], [sflag:$0x1] =	stream.indirect_vreg.gather [hbm4b:s4+s30], $0x80, v3, vm0, $0xb8;
	[tilespmem:$0x1C100] =	vst v63  }
0x62: {  	_ = 	snop  }
0x63: {  	[tilespmem:s9], [sflag:$0x1] =	stream.indirect_vreg.gather [hbm4b:s10+s30], $0x80, v3, vm0, $0xb8;
	[tilespmem:$0x1C100] =	vst v63  }
0x64: {  	_ = 	snop  }
0x65: {  	[tilespmem:s13], [sflag:$0x1] =	stream.indirect_vreg.gather [hbm4b:s11+s30], $0x80, v3, vm0, $0xb8;
	[tilespmem:$0x1C100] =	vst v63  }
0x66: {  	_ = 	snop  }
0x67: {  	[tilespmem:s2], [sflag:$0x1] =	stream.indirect_vreg.gather [hbm4b:s12+s30], $0x80, v3, vm0, $0xb8;
	[tilespmem:$0x1C100] =	vst v63  }
0x68: {  	v3 =	vld [tilespmem:s29+$0x90];
	_ =	sdelay $0x4  }
0x69: {  	v63 =	vshll.u32 v3, $0x3  }
0x6a: {  	v3 =	vand.u32 $0x7, v3;
	v4 =	vand.u32 $0xFFFFFFC0, v63  }
0x6b: {  	v3 =	vor.u32 v3, v4  }
0x6c: {  	v4 =	vperm.xlane v3, v0;
	_ =	sdelay $0x1  }
0x6d: {  	v4 =	vadd.s32 v1, v4;
	_ =	sdelay $0x4  }
0x6e: {  	[tilespmem:s18], [sflag:$0x1] =	stream.indirect_vreg.gather [hbm4b:s4+s30], $0x80, v4, vm0, $0xb8;
	[tilespmem:$0x1C100] =	vst v63  }
0x6f: {  	v3 =	vperm.xlane v3, v2  }
0x70: {  	[tilespmem:s19], [sflag:$0x1] =	stream.indirect_vreg.gather [hbm4b:s10+s30], $0x80, v4, vm0, $0xb8;
	[tilespmem:$0x1C100] =	vst v63  }
0x71: {  	v3 =	vadd.s32 v1, v3  }
0x72: {  	[tilespmem:s20], [sflag:$0x1] =	stream.indirect_vreg.gather [hbm4b:s11+s30], $0x80, v4, vm0, $0xb8;
	[tilespmem:$0x1C100] =	vst v63  }
0x73: {  	_ = 	snop  }
0x74: {  	[tilespmem:s21], [sflag:$0x1] =	stream.indirect_vreg.gather [hbm4b:s12+s30], $0x80, v4, vm0, $0xb8;
	[tilespmem:$0x1C100] =	vst v63  }
0x75: {  	_ = 	snop  }
0x76: {  	[tilespmem:s22], [sflag:$0x1] =	stream.indirect_vreg.gather [hbm4b:s4+s30], $0x80, v3, vm0, $0xb8;
	[tilespmem:$0x1C100] =	vst v63  }
0x77: {  	_ = 	snop  }
0x78: {  	[tilespmem:s23], [sflag:$0x1] =	stream.indirect_vreg.gather [hbm4b:s10+s30], $0x80, v3, vm0, $0xb8;
	[tilespmem:$0x1C100] =	vst v63  }
0x79: {  	_ = 	snop  }
0x7a: {  	[tilespmem:s24], [sflag:$0x1] =	stream.indirect_vreg.gather [hbm4b:s11+s30], $0x80, v3, vm0, $0xb8;
	[tilespmem:$0x1C100] =	vst v63  }
0x7b: {  	_ = 	snop  }
0x7c: {  	[tilespmem:s25], [sflag:$0x1] =	stream.indirect_vreg.gather [hbm4b:s12+s30], $0x80, v3, vm0, $0xb8;
	[tilespmem:$0x1C100] =	vst v63  }
0x7d: {  	_ =	swait.ge [sflag:s17], $0x8000  }
0x7e: {  	[sflag:s17] =	ssyncset.done $0x0  }
0x7f: {  	[sflag:s17] =	ssyncadd.s32 $0xFFFF8000  }
0x80: {  	_ =	swait.ge [sflag:s17], $0x8000  }
0x81: {  	p0 =	por p1, p1;
	[sflag:s17] =	ssyncset.done $0x0  }
0x82: {  	s31 =	simm.s32 $0x0;
	s0 =	simm.s32 $0x0;
	[sflag:s17] =	ssyncadd.s32 $0xFFFF8000  }
.LBB2_3:
0x83: {  	s1 =	sshll.u32 s31, $0x2;
	s6 =	sand.u32 $0x7, s30  }
0x84: {  	s14 =	sor.u32 s29, s0;
	s1 =	sand.u32 $0xFFFF8000, s1;
	s6 =	sshll.u32 s6, $0x9  }
0x85: {  	s16 =	sshll.u32 s14, $0x7;
	s1 =	sor.u32 s6, s1  }
0x86: {  	v3 =	vld [tilespmem:s16+$0x100];
	s15 =	sshrl.u32 s1, $0x2  }
0x87: {  	v4 =	vld [tilespmem:s16+$0x2100];
	s1 =	sadd.s32 $0x4140, s15  }
0x88: {  	s14 =	sadd.s32 $0xC140, s15;
	v5 =	vld [tilespmem:s1+$0xFFFFFFC0]  }
0x89: {  	v6 =	vld [tilespmem:s14+$0xFFFFFFC0];
	_ =	sdelay $0x4  }
0x8a: {  	v5 =	vmul.f32 v5, v3;
	v6 =	vmul.f32 v6, v4;
	_ =	sdelay $0x1  }
0x8b: {  	v5 =	vadd.f32 v6, v5  }
0x8c: {  	s15 =	sadd.s32 $0x14140, s15  }
0x8d: {  	[tilespmem:s15+$0xFFFFFFC0] =	vst v5  }
0x8e: {  	v5 =	vld [tilespmem:s1+$0xFFFFFFD0]  }
0x8f: {  	v6 =	vld [tilespmem:s14+$0xFFFFFFD0];
	_ =	sdelay $0x4  }
0x90: {  	v5 =	vmul.f32 v5, v3;
	v6 =	vmul.f32 v6, v4;
	_ =	sdelay $0x1  }
0x91: {  	v5 =	vadd.f32 v6, v5;
	_ =	sdelay $0x1  }
0x92: {  	[tilespmem:s15+$0xFFFFFFD0] =	vst v5  }
0x93: {  	v5 =	vld [tilespmem:s1+$0xFFFFFFE0]  }
0x94: {  	v6 =	vld [tilespmem:s14+$0xFFFFFFE0];
	_ =	sdelay $0x4  }
0x95: {  	v5 =	vmul.f32 v5, v3;
	v6 =	vmul.f32 v6, v4;
	_ =	sdelay $0x1  }
0x96: {  	v5 =	vadd.f32 v6, v5;
	_ =	sdelay $0x1  }
0x97: {  	[tilespmem:s15+$0xFFFFFFE0] =	vst v5  }
0x98: {  	v5 =	vld [tilespmem:s1+$0xFFFFFFF0]  }
0x99: {  	v6 =	vld [tilespmem:s14+$0xFFFFFFF0];
	_ =	sdelay $0x4  }
0x9a: {  	v5 =	vmul.f32 v5, v3;
	v6 =	vmul.f32 v6, v4;
	_ =	sdelay $0x1  }
0x9b: {  	v5 =	vadd.f32 v6, v5;
	_ =	sdelay $0x1  }
0x9c: {  	[tilespmem:s15+$0xFFFFFFF0] =	vst v5  }
0x9d: {  	v5 =	vld [tilespmem:s1+$0x0]  }
0x9e: {  	v6 =	vld [tilespmem:s14+$0x0];
	_ =	sdelay $0x4  }
0x9f: {  	v5 =	vmul.f32 v5, v3;
	v6 =	vmul.f32 v6, v4;
	_ =	sdelay $0x1  }
0xa0: {  	v5 =	vadd.f32 v6, v5;
	_ =	sdelay $0x1  }
0xa1: {  	[tilespmem:s15+$0x0] =	vst v5  }
0xa2: {  	v5 =	vld [tilespmem:s1+$0x10]  }
0xa3: {  	v6 =	vld [tilespmem:s14+$0x10];
	_ =	sdelay $0x4  }
0xa4: {  	v5 =	vmul.f32 v5, v3;
	v6 =	vmul.f32 v6, v4;
	_ =	sdelay $0x1  }
0xa5: {  	v5 =	vadd.f32 v6, v5;
	_ =	sdelay $0x1  }
0xa6: {  	[tilespmem:s15+$0x10] =	vst v5  }
0xa7: {  	v5 =	vld [tilespmem:s1+$0x20]  }
0xa8: {  	v6 =	vld [tilespmem:s14+$0x20];
	_ =	sdelay $0x4  }
0xa9: {  	v5 =	vmul.f32 v5, v3;
	v6 =	vmul.f32 v6, v4;
	_ =	sdelay $0x1  }
0xaa: {  	v5 =	vadd.f32 v6, v5;
	_ =	sdelay $0x1  }
0xab: {  	[tilespmem:s15+$0x20] =	vst v5  }
0xac: {  	v5 =	vld [tilespmem:s1+$0x30]  }
0xad: {  	v6 =	vld [tilespmem:s14+$0x30]  }
0xae: {  	s16 =	simm.s32 $0x0;
	s6 =	sadd.s32 $0x400, s15  }
.LBB2_4:
0xaf: {  	s16 =	sadd.s32 $0x8, s16;
	s1 =	sadd.s32 $0x400, s1;
	s14 =	sadd.s32 $0x400, s14  }
0xb0: {  	p1 =	slt.u32 s16, $0x38  }
0xb1: {  	v5 =	vmul.f32 v5, v3  }
0xb2: {  	v6 =	vmul.f32 v6, v4;
	_ =	sdelay $0x1  }
0xb3: {  	v5 =	vadd.f32 v6, v5;
	_ =	sdelay $0x1  }
0xb4: {  	[tilespmem:s15+$0x30] =	vst v5;
	s15 =	smov.u32 s6  }
0xb5: {  	v5 =	vld [tilespmem:s1+$0xFFFFFFC0]  }
0xb6: {  	v6 =	vld [tilespmem:s14+$0xFFFFFFC0];
	_ =	sdelay $0x4  }
0xb7: {  	v5 =	vmul.f32 v5, v3;
	v6 =	vmul.f32 v6, v4;
	_ =	sdelay $0x1  }
0xb8: {  	v5 =	vadd.f32 v6, v5;
	_ =	sdelay $0x1  }
0xb9: {  	[tilespmem:s6+$0xFFFFFFC0] =	vst v5  }
0xba: {  	v5 =	vld [tilespmem:s1+$0xFFFFFFD0]  }
0xbb: {  	v6 =	vld [tilespmem:s14+$0xFFFFFFD0];
	_ =	sdelay $0x3  }
0xbc: {  	v5 =	vmul.f32 v5, v3  }
0xbd: {  	v6 =	vmul.f32 v6, v4;
	_ =	sdelay $0x1  }
0xbe: {  	v5 =	vadd.f32 v6, v5;
	_ =	sdelay $0x1  }
0xbf: {  	[tilespmem:s6+$0xFFFFFFD0] =	vst v5  }
0xc0: {  	v5 =	vld [tilespmem:s1+$0xFFFFFFE0]  }
0xc1: {  	v6 =	vld [tilespmem:s14+$0xFFFFFFE0];
	_ =	sdelay $0x3  }
0xc2: {  	v5 =	vmul.f32 v5, v3  }
0xc3: {  	v6 =	vmul.f32 v6, v4;
	_ =	sdelay $0x1  }
0xc4: {  	v5 =	vadd.f32 v6, v5;
	_ =	sdelay $0x1  }
0xc5: {  	[tilespmem:s6+$0xFFFFFFE0] =	vst v5  }
0xc6: {  	v5 =	vld [tilespmem:s1+$0xFFFFFFF0]  }
0xc7: {  	v6 =	vld [tilespmem:s14+$0xFFFFFFF0];
	_ =	sdelay $0x3  }
0xc8: {  	v5 =	vmul.f32 v5, v3  }
0xc9: {  	v6 =	vmul.f32 v6, v4;
	_ =	sdelay $0x1  }
0xca: {  	v5 =	vadd.f32 v6, v5;
	_ =	sdelay $0x1  }
0xcb: {  	[tilespmem:s6+$0xFFFFFFF0] =	vst v5  }
0xcc: {  	v5 =	vld [tilespmem:s1+$0x0]  }
0xcd: {  	v6 =	vld [tilespmem:s14+$0x0];
	_ =	sdelay $0x3  }
0xce: {  	v5 =	vmul.f32 v5, v3  }
0xcf: {  	v6 =	vmul.f32 v6, v4;
	_ =	sdelay $0x1  }
0xd0: {  	v5 =	vadd.f32 v6, v5;
	_ =	sdelay $0x1  }
0xd1: {  	[tilespmem:s6+$0x0] =	vst v5  }
0xd2: {  	v5 =	vld [tilespmem:s1+$0x10]  }
0xd3: {  	v6 =	vld [tilespmem:s14+$0x10];
	_ =	sdelay $0x3  }
0xd4: {  	v5 =	vmul.f32 v5, v3  }
0xd5: {  	v6 =	vmul.f32 v6, v4;
	_ =	sdelay $0x1  }
0xd6: {  	v5 =	vadd.f32 v6, v5;
	_ =	sdelay $0x1  }
0xd7: {  	[tilespmem:s6+$0x10] =	vst v5  }
0xd8: {  	v5 =	vld [tilespmem:s1+$0x20]  }
0xd9: {  	v6 =	vld [tilespmem:s14+$0x20];
	_ =	sdelay $0x3  }
0xda: {  	v5 =	vmul.f32 v5, v3  }
0xdb: {  	v6 =	vmul.f32 v6, v4;
	_ =	sdelay $0x1  }
0xdc: {  	v5 =	vadd.f32 v6, v5  }
.Ltmp0:
0xdd: {  	(pc) =	sbr.rel @p1 .LBB2_4-.Ltmp0, $4  }
0xde: {  	[tilespmem:s6+$0x20] =	vst v5  }
0xdf: {  	v5 =	vld [tilespmem:s1+$0x30]  }
0xe0: {  	v6 =	vld [tilespmem:s14+$0x30]  }
0xe1: {  	s6 =	sadd.s32 $0x400, s6  }
0xe2: {  	_ = 	snop  }
0xe3: {  	s0 =	sadd.s32 $0x1, s0  }
0xe4: {  	p1 =	sne.s32 s0, $0x20  }
.Ltmp1:
0xe5: {  	v3 =	vmul.f32 v5, v3;
	v4 =	vmul.f32 v6, v4;
	(pc) =	sbr.rel @p1 .LBB2_3-.Ltmp1, $3  }
0xe6: {  	_ = 	snop  }
0xe7: {  	v3 =	vadd.f32 v4, v3;
	_ =	sdelay $0x1  }
0xe8: {  	s31 =	sadd.s32 $0x400, s31;
	s30 =	sadd.s32 $0x1, s30;
	[tilespmem:s15+$0x30] =	vst v3  }
0xe9: {  	s0 =	sor.u32 s5, s29  }
0xea: {  	s1 =	rddreg [dreg:$0x1];
	s0 =	sshll.u32 s0, $0x7  }
.Ltmp2:
0xeb: {  	s0 =	sadd.s32 s1, s0;
	(pc) =	sbr.rel @p0 .LBB2_2-.Ltmp2, $4  }
0xec: {  	[hbm4b:s0+s3] =	stream.linear.scatter [tilespmem:s26], [sflag:$0x2], $0x8000, $0x38;
	[tilespmem:$0x1C100] =	vst v63  }
0xed: {  	_ =	swait.ge [sflag:s28], $0x8000  }
0xee: {  	[sflag:s28] =	ssyncset.done $0x0  }
0xef: {  	s29 =	simm.s32 $0x20;
	p1 =	por $0x0, $0x0;
	[sflag:s28] =	ssyncadd.s32 $0xFFFF8000  }
0xf0: {  	s1 =	rddreg [dreg:$0x8]  }
0xf1: {  	s0 =	rddreg [dreg:$0x7];
	s1 =	sadd.s32 $0x1, s1  }
0xf2: {  	p0 =	sne.s32 s1, s0  }
.Ltmp3:
0xf3: {  	_ = 	snop;
	(pc) =	sbr.rel @p0 .LBB2_1-.Ltmp3, $1  }
0xf4: {  	_ =	sdelay $0x3  }
0xf5: {  	_ =	sfence.sel $0x180000  }
0xf6: {  	[bflag:$0x0] =	sbarrier.arrive $0xFFFF  }
0xf7: {  	_ =	strace $0x9000004A  }
0xf8: {  	s0 =	stileid.u32;
	[bflag:$0x2] =	sbarrier.arrive $0xFFFF  }
0xf9: {  	p0 =	sne.s32 s0, $0x0;
	s0 =	rddreg [dreg:$0x2]  }
0xfa: {  	s0 =	sadd.s32 @!p0 $0x100000, s0  }
0xfb: {  	[sflag:s0] =	ssyncadd.tile.s32 @!p0 $0x1;
	_ =	shalt  }
.Lfunc_end2:
_tile_overlayer_lowered:
.L_overlay_start_2:
0xfc: {  	(tag) =	ssettag $0x2  }
0xfd: {  	s0 =	rddreg [dreg:$0x0];
	s2 =	stileid.u32  }
0xfe: {  	s1 =	rddreg [dreg:$0x1];
	p0 =	sne.s32 s2, $0x0  }
0xff: {  	s3 =	rddreg [dreg:$0x2];
	[bflag:$0x3] =	sbarrier.arrive $0xFFFF;
	s2 =	simm.s32 @!p0 $0x1C02  }
0x100: {  	[timem:s3], [sflag:s2] =	dma.local @!p0 [hbm:s0], s1  }
0x101: {  	s0 =	simm.s32 @!p0 $0x2  }
0x102: {  	_ =	swait.ge @!p0 [sflag:s0], s1  }
0x103: {  	s1 =	ssub.s32 @!p0 $0x0, s1;
	[sflag:s0] =	ssyncset.done @!p0 $0x0  }
0x104: {  	[sflag:s0] =	ssyncadd.s32 @!p0 s1  }
0x105: {  	[bflag:$0x3] =	sbarrier.arrive $0xFFFF  }
0x106: {  	_ =	shalt  }

</sc_bundles>
